<compile_context>
chip_gen: v7x
topology: tpu7x:2x2x1
jax: 0.10.2.dev20260603
libtpu: 0.0.44.dev20260713+nightly
codegen_flags: <defaults>
</compile_context>

<pallas_src>
import functools

import jax
import jax.numpy as jnp
from jax import lax
from jax.experimental import pallas as pl
from jax.experimental.pallas import tpu as pltpu
from jax.experimental.pallas import tpu_sc as plsc

N = 10000
E = 320000
D = 128

NC = 2
NS = 16
NW = NC * NS

CHUNK = 128
CW = 80
EPAD = NW * CW * CHUNK
NPAD = 10112
WROWS = NPAD // NS

TCB = 2000

_mesh = plsc.VectorSubcoreMesh(core_axis_name="c", subcore_axis_name="s")



def _deg_body(dstp_hbm, ones_hbm, zeros_hbm, out_hbm, dst_v, ones_v, acc_sh,
              sem):
    c = lax.axis_index("c")
    s = lax.axis_index("s")
    w = s * NC + c
    pltpu.sync_copy(zeros_hbm.at[pl.ds(s * WROWS, WROWS)],
                    acc_sh.at[pl.ds(s * WROWS, WROWS)])
    pltpu.sync_copy(ones_hbm, ones_v)
    pltpu.sync_copy(dstp_hbm.at[pl.ds(w * CW, CW)], dst_v)
    plsc.subcore_barrier()

    def body(j, carry):
        pltpu.sync_copy(ones_v, acc_sh.at[dst_v.at[j]], add=True)
        return carry

    lax.fori_loop(0, CW, body, 0)
    plsc.subcore_barrier()
    pltpu.sync_copy(acc_sh.at[pl.ds(s * WROWS, WROWS)],
                    out_hbm.at[c, pl.ds(s * WROWS, WROWS)])


_deg_kernel = functools.partial(
    pl.kernel,
    out_type=jax.ShapeDtypeStruct((NC, NPAD, D), jnp.float32),
    mesh=_mesh,
    scratch_types=[
        pltpu.VMEM((CW, CHUNK), jnp.int32),
        pltpu.VMEM((CHUNK, D), jnp.float32),
        pltpu.VMEM_SHARED((NPAD, D), jnp.float32),
        pltpu.SemaphoreType.DMA,
    ],
)(_deg_body)


NBUF = 2


CW0 = 120
CW1 = 2 * CW - CW0
SLAB = 40


def _agg_body(g_hbm, srcp_hbm, dstp_hbm, zeros_hbm, out_hbm, src_v, dst_v,
              r0, r1, acc_sh, *sems):
    c = lax.axis_index("c")
    s = lax.axis_index("s")
    rows = [r0, r1]
    pltpu.sync_copy(zeros_hbm.at[pl.ds(s * WROWS, WROWS)],
                    acc_sh.at[pl.ds(s * WROWS, WROWS)])
    plsc.subcore_barrier()

    base = s * (CW0 + CW1) + c * CW0
    nslab = lax.select(c == 0, CW0 // SLAB, CW1 // SLAB)

    def gather(j, b):
        pltpu.async_copy(g_hbm.at[src_v.at[j]], rows[b], sems[b])

    def gwait(j, b):
        pltpu.make_async_copy(g_hbm.at[src_v.at[j]], rows[b],
                              sems[b]).wait()

    def slab_body(h, carry0):
        pltpu.sync_copy(srcp_hbm.at[pl.ds(base + h * SLAB, SLAB)], src_v)
        pltpu.sync_copy(dstp_hbm.at[pl.ds(base + h * SLAB, SLAB)], dst_v)
        for b in range(NBUF):
            gather(b, b)

        def body(j2, carry):
            for b in range(NBUF):
                j = j2 * NBUF + b
                gwait(j, b)
                pltpu.sync_copy(rows[b], acc_sh.at[dst_v.at[j]], add=True)

                @pl.when(j + NBUF < SLAB)
                def _():
                    gather(j + NBUF, b)
            return carry

        lax.fori_loop(0, SLAB // NBUF, body, 0)
        return carry0

    lax.fori_loop(0, nslab, slab_body, 0)
    plsc.subcore_barrier()
    pltpu.sync_copy(acc_sh.at[pl.ds(s * WROWS, WROWS)],
                    out_hbm.at[c, pl.ds(s * WROWS, WROWS)])


_agg_kernel = functools.partial(
    pl.kernel,
    out_type=jax.ShapeDtypeStruct((NC, NPAD, D), jnp.float32),
    mesh=_mesh,
    scratch_types=[
        pltpu.VMEM((SLAB, CHUNK), jnp.int32),
        pltpu.VMEM((SLAB, CHUNK), jnp.int32),
        pltpu.VMEM((CHUNK, D), jnp.float32),
        pltpu.VMEM((CHUNK, D), jnp.float32),
        pltpu.VMEM_SHARED((NPAD, D), jnp.float32),
        pltpu.SemaphoreType.DMA,
        pltpu.SemaphoreType.DMA,
    ],
)(_agg_body)



def _tcmm_body(x_ref, w_ref, h_ref):
    h_ref[...] = lax.dot_general(x_ref[...], w_ref[...],
                                 (((1,), (0,)), ((), ())),
                                 precision=lax.Precision.HIGHEST,
                                 preferred_element_type=jnp.float32)


def _tc_mm(x, W1):
    return pl.pallas_call(
        _tcmm_body,
        grid=(N // TCB,),
        in_specs=[
            pl.BlockSpec((TCB, D), lambda i: (i, 0)),
            pl.BlockSpec((D, D), lambda i: (0, 0)),
        ],
        out_specs=pl.BlockSpec((TCB, D), lambda i: (i, 0)),
        out_shape=jax.ShapeDtypeStruct((N, D), jnp.float32),
    )(x, W1)


def _tca_body(h_ref, dega_ref, degb_ref, g_ref, dinv_ref):
    deg = dega_ref[:, 0:1] + degb_ref[:, 0:1] + 1.0
    dinv = lax.rsqrt(deg)
    g_ref[...] = h_ref[...] * dinv
    dinv_ref[...] = jnp.broadcast_to(dinv, (TCB, 16))


def _tc_a(h, degA, degB):
    return pl.pallas_call(
        _tca_body,
        grid=(N // TCB,),
        in_specs=[
            pl.BlockSpec((TCB, D), lambda i: (i, 0)),
            pl.BlockSpec((TCB, 16), lambda i: (i, 0)),
            pl.BlockSpec((TCB, 16), lambda i: (i, 0)),
        ],
        out_specs=[
            pl.BlockSpec((TCB, D), lambda i: (i, 0)),
            pl.BlockSpec((TCB, 16), lambda i: (i, 0)),
        ],
        out_shape=[
            jax.ShapeDtypeStruct((N, D), jnp.float32),
            jax.ShapeDtypeStruct((N, 16), jnp.float32),
        ],
    )(h, degA, degB)


def _tcb_body(acca_ref, accb_ref, g1_ref, dinv_ref, b1_ref, w_ref, g2_ref):
    dv = dinv_ref[:, 0:1]
    pre = (acca_ref[...] + accb_ref[...] + g1_ref[...]) * dv + b1_ref[...]
    h1 = jnp.maximum(pre, 0.0)
    h2 = lax.dot_general(h1, w_ref[...], (((1,), (0,)), ((), ())),
                         precision=lax.Precision.HIGHEST,
                         preferred_element_type=jnp.float32)
    g2_ref[...] = h2 * dv


def _tc_b(accA, accB, g1, dinv, b1, W2):
    return pl.pallas_call(
        _tcb_body,
        grid=(N // TCB,),
        in_specs=[
            pl.BlockSpec((TCB, D), lambda i: (i, 0)),
            pl.BlockSpec((TCB, D), lambda i: (i, 0)),
            pl.BlockSpec((TCB, D), lambda i: (i, 0)),
            pl.BlockSpec((TCB, 16), lambda i: (i, 0)),
            pl.BlockSpec((1, D), lambda i: (0, 0)),
            pl.BlockSpec((D, D), lambda i: (0, 0)),
        ],
        out_specs=pl.BlockSpec((TCB, D), lambda i: (i, 0)),
        out_shape=jax.ShapeDtypeStruct((N, D), jnp.float32),
    )(accA, accB, g1, dinv, b1, W2)


def _tcc_body(acca_ref, accb_ref, g2_ref, dinv_ref, b2_ref, out_ref):
    dv = dinv_ref[:, 0:1]
    out_ref[...] = (acca_ref[...] + accb_ref[...] + g2_ref[...]) * dv \
        + b2_ref[...]


def _tc_c(accA, accB, g2, dinv, b2):
    return pl.pallas_call(
        _tcc_body,
        grid=(N // TCB,),
        in_specs=[
            pl.BlockSpec((TCB, D), lambda i: (i, 0)),
            pl.BlockSpec((TCB, D), lambda i: (i, 0)),
            pl.BlockSpec((TCB, D), lambda i: (i, 0)),
            pl.BlockSpec((TCB, 16), lambda i: (i, 0)),
            pl.BlockSpec((1, D), lambda i: (0, 0)),
        ],
        out_specs=pl.BlockSpec((TCB, D), lambda i: (i, 0)),
        out_shape=jax.ShapeDtypeStruct((N, D), jnp.float32),
    )(accA, accB, g2, dinv, b2)



@jax.jit
def kernel(x, edge_index, W1, b1, W2, b2):
    src = edge_index[0]
    dst = edge_index[1]
    pad = EPAD - E
    srcp = jnp.concatenate([src, jnp.zeros((pad,), jnp.int32)])
    dstp = jnp.concatenate([dst, jnp.full((pad,), N, jnp.int32)])
    srcp = srcp.reshape(NW * CW, CHUNK)
    dstp = dstp.reshape(NW * CW, CHUNK)

    onesD = jnp.ones((CHUNK, D), jnp.float32)
    zerosD = jnp.zeros((NPAD, D), jnp.float32)

    h1 = _tc_mm(x, W1)
    deg2 = _deg_kernel(dstp, onesD, zerosD)

    g1, dinv = _tc_a(h1, deg2[0, :N, :16], deg2[1, :N, :16])
    acc1 = _agg_kernel(g1, srcp, dstp, zerosD)
    g2 = _tc_b(acc1[0, :N], acc1[1, :N], g1, dinv, b1.reshape(1, D), W2)
    acc2 = _agg_kernel(g2, srcp, dstp, zerosD)
    out = _tc_c(acc2[0, :N], acc2[1, :N], g2, dinv, b2.reshape(1, D))
    return out

# --- scband reference (transcript-rebuilt; emitter-appended) ---
"""Pipeline reference for scband-gnn-multi-layer-15882789060739 (READ-ONLY COPY).

The authoritative reference and input builder live on the scoring server;
editing this copy changes nothing except your own understanding.
"""

import jax, jax.numpy as jnp
import numpy as np

N = 10000
E = 320000
D_IN = 128
D_H = 128
D_OUT = 128


def setup_inputs(seed: int = 0) -> dict:
    key = jax.random.key(seed)
    k1, k2, k3, k4, k5, k6 = jax.random.split(key, 6)
    x = jax.random.normal(k1, (N, D_IN), dtype=jnp.float32)
    edge_index = jax.random.randint(k2, (2, E), 0, N, dtype=jnp.int32)
    # GCNConv params (lin weight stored as [in, out] for x @ W)
    W1 = jax.random.normal(k3, (D_IN, D_H), dtype=jnp.float32) / np.sqrt(D_IN)
    b1 = jnp.zeros((D_H,), dtype=jnp.float32)
    W2 = jax.random.normal(k4, (D_H, D_OUT), dtype=jnp.float32) / np.sqrt(D_H)
    b2 = jnp.zeros((D_OUT,), dtype=jnp.float32)
    return {"x": x, "edge_index": edge_index, "W1": W1, "b1": b1, "W2": W2, "b2": b2}


def _gcn_norm(edge_index, num_nodes):
    # add self loops and compute symmetric normalization D^-1/2 A_hat D^-1/2
    loop = jnp.arange(num_nodes, dtype=edge_index.dtype)
    src = jnp.concatenate([edge_index[0], loop])
    dst = jnp.concatenate([edge_index[1], loop])
    ones = jnp.ones(src.shape[0], dtype=jnp.float32)
    deg = jax.ops.segment_sum(ones, dst, num_segments=num_nodes)
    dinv = jnp.where(deg > 0, jax.lax.rsqrt(deg), 0.0)
    norm = dinv[src] * dinv[dst]
    return src, dst, norm


def _gcn_conv(x, W, b, src, dst, norm, num_nodes):
    h = x @ W
    msg = h[src] * norm[:, None]
    out = jax.ops.segment_sum(msg, dst, num_segments=num_nodes)
    return out + b


def reference(x, edge_index, W1, b1, W2, b2):
    # eval mode: dropout is identity (training=False)
    src, dst, norm = _gcn_norm(edge_index, N)
    h = _gcn_conv(x, W1, b1, src, dst, norm, N)
    h = jax.nn.relu(h)
    out = _gcn_conv(h, W2, b2, src, dst, norm, N)
    return out

if __name__ == "__main__":
    import jax
    _d = setup_inputs()
    print(jax.jit(kernel)(*tuple(_d.values())))

</pallas_src>

<mosaic_0001>
#map = affine_map<(d0, d1) -> (0, 0)>
#map1 = affine_map<(d0, d1) -> (0, 0, 0)>
module attributes {stable_mosaic.version = 14 : i64} {
  func.func @_deg_body(%arg0: i32, %arg1: i32, %arg2: memref<2560x128xi32, #tpu.memory_space<hbm>>, %arg3: memref<128x128xf32, #tpu.memory_space<hbm>>, %arg4: memref<10112x128xf32, #tpu.memory_space<hbm>>, %arg5: memref<2x10112x128xf32, #tpu.memory_space<hbm>>, %arg6: memref<80x128xi32, #tpu.memory_space<vmem>>, %arg7: memref<128x128xf32, #tpu.memory_space<vmem>>, %arg8: memref<10112x128xf32, #tpu.memory_space<vmem_shared>>, %arg9: memref<!tpu.dma_semaphore, #tpu.memory_space<semaphore_mem>>) attributes {dimension_semantics = [#tpu.dimension_semantics<core_parallel>, #tpu.dimension_semantics<subcore_parallel>], iteration_bounds = array<i64: 2, 16>, scalar_prefetch = 0 : i64, scratch_operands = 4 : i64, tpu.core_type = #tpu.core_type<sc_vector_subcore>, window_params = [{transform_indices = #map}, {transform_indices = #map}, {transform_indices = #map}, {transform_indices = #map1}]} {
    %mul3A = arith.constant 2 : i32
    %mul3A_0 = arith.muli %arg1, %mul3A : i32
    %add3A = arith.addi %mul3A_0, %arg0 : i32
    %mul3A_1 = arith.constant 632 : i32
    %mul3A_2 = arith.muli %arg1, %mul3A_1 : i32
    %mul3A_3 = arith.constant 632 : i32
    %mul3A_4 = arith.muli %arg1, %mul3A_3 : i32
    "tpu.region"() ({
      %run_scoped3A = tpu.sem_alloc : memref<!tpu.dma_semaphore, #tpu.memory_space<semaphore_mem>>
      %dma_start3A = arith.constant 0 : i32
      %dma_start3A_17 = tpu.memref_slice %arg8[%mul3A_4, %dma_start3A] : memref<10112x128xf32, #tpu.memory_space<vmem_shared>> -> memref<632x128xf32, #tpu.memory_space<vmem_shared>>
      %dma_start3A_18 = arith.constant 0 : i32
      %dma_start3A_19 = tpu.memref_slice %arg4[%mul3A_2, %dma_start3A_18] : memref<10112x128xf32, #tpu.memory_space<hbm>> -> memref<632x128xf32, #tpu.memory_space<hbm>>
      tpu.enqueue_dma source(%dma_start3A_19 : memref<632x128xf32, #tpu.memory_space<hbm>>) target(%dma_start3A_17 : memref<632x128xf32, #tpu.memory_space<vmem_shared>>) target_semaphore(%run_scoped3A : memref<!tpu.dma_semaphore, #tpu.memory_space<semaphore_mem>>)
      %dma_wait3A = arith.constant 0 : i32
      %dma_wait3A_20 = tpu.memref_slice %arg8[%mul3A_4, %dma_wait3A] : memref<10112x128xf32, #tpu.memory_space<vmem_shared>> -> memref<632x128xf32, #tpu.memory_space<vmem_shared>>
      %dma_wait3A_21 = arith.constant 0 : i32
      %dma_wait3A_22 = tpu.memref_slice %arg4[%mul3A_2, %dma_wait3A_21] : memref<10112x128xf32, #tpu.memory_space<hbm>> -> memref<632x128xf32, #tpu.memory_space<hbm>>
      tpu.wait_dma2 semaphore(%run_scoped3A : memref<!tpu.dma_semaphore, #tpu.memory_space<semaphore_mem>>) src(%dma_wait3A_22 : memref<632x128xf32, #tpu.memory_space<hbm>>) dst(%dma_wait3A_20 : memref<632x128xf32, #tpu.memory_space<vmem_shared>>)
      tpu.yield
    }) : () -> ()
    "tpu.region"() ({
      %run_scoped3A = tpu.sem_alloc : memref<!tpu.dma_semaphore, #tpu.memory_space<semaphore_mem>>
      tpu.enqueue_dma source(%arg3 : memref<128x128xf32, #tpu.memory_space<hbm>>) target(%arg7 : memref<128x128xf32, #tpu.memory_space<vmem>>) target_semaphore(%run_scoped3A : memref<!tpu.dma_semaphore, #tpu.memory_space<semaphore_mem>>)
      tpu.wait_dma2 semaphore(%run_scoped3A : memref<!tpu.dma_semaphore, #tpu.memory_space<semaphore_mem>>) src(%arg3 : memref<128x128xf32, #tpu.memory_space<hbm>>) dst(%arg7 : memref<128x128xf32, #tpu.memory_space<vmem>>)
      tpu.yield
    }) : () -> ()
    %mul3A_5 = arith.constant 80 : i32
    %mul3A_6 = arith.muli %add3A, %mul3A_5 : i32
    "tpu.region"() ({
      %run_scoped3A = tpu.sem_alloc : memref<!tpu.dma_semaphore, #tpu.memory_space<semaphore_mem>>
      %dma_start3A = arith.constant 0 : i32
      %dma_start3A_17 = tpu.memref_slice %arg2[%mul3A_6, %dma_start3A] : memref<2560x128xi32, #tpu.memory_space<hbm>> -> memref<80x128xi32, #tpu.memory_space<hbm>>
      %dma_start3A_18 = arith.constant 0 : i32
      %dma_start3A_19 = tpu.memref_slice %arg2[%mul3A_6, %dma_start3A_18] : memref<2560x128xi32, #tpu.memory_space<hbm>> -> memref<80x128xi32, #tpu.memory_space<hbm>>
      tpu.enqueue_dma source(%dma_start3A_19 : memref<80x128xi32, #tpu.memory_space<hbm>>) target(%arg6 : memref<80x128xi32, #tpu.memory_space<vmem>>) target_semaphore(%run_scoped3A : memref<!tpu.dma_semaphore, #tpu.memory_space<semaphore_mem>>)
      %dma_wait3A = arith.constant 0 : i32
      %dma_wait3A_20 = tpu.memref_slice %arg2[%mul3A_6, %dma_wait3A] : memref<2560x128xi32, #tpu.memory_space<hbm>> -> memref<80x128xi32, #tpu.memory_space<hbm>>
      %dma_wait3A_21 = arith.constant 0 : i32
      %dma_wait3A_22 = tpu.memref_slice %arg2[%mul3A_6, %dma_wait3A_21] : memref<2560x128xi32, #tpu.memory_space<hbm>> -> memref<80x128xi32, #tpu.memory_space<hbm>>
      tpu.wait_dma2 semaphore(%run_scoped3A : memref<!tpu.dma_semaphore, #tpu.memory_space<semaphore_mem>>) src(%dma_wait3A_22 : memref<80x128xi32, #tpu.memory_space<hbm>>) dst(%arg6 : memref<80x128xi32, #tpu.memory_space<vmem>>)
      tpu.yield
    }) : () -> ()
    %barrier3A = arith.constant 0 : index
    tpu.barrier barrier_id(%barrier3A)
    %scan3A = arith.constant 0 : i32
    %scan3A_7 = arith.constant 0 : i32
    %scan3A_8 = arith.constant 80 : i32
    %scan3A_9 = arith.addi %scan3A_7, %scan3A_8 : i32
    %scan3A_10 = arith.constant 1 : i32
    scf.for %scan3A_17 = %scan3A_7 to %scan3A_9 step %scan3A_10  : i32 {
      "tpu.region"() ({
        %run_scoped3A = tpu.sem_alloc : memref<!tpu.dma_semaphore, #tpu.memory_space<semaphore_mem>>
        %dma_start3A = arith.constant 0 : i32
        %dma_start3A_18 = tpu.memref_slice %arg6[%scan3A_17, %dma_start3A] : memref<80x128xi32, #tpu.memory_space<vmem>> -> memref<1x128xi32, #tpu.memory_space<vmem>>
        %dma_start3A_19 = tpu.memref_squeeze %dma_start3A_18 : memref<1x128xi32, #tpu.memory_space<vmem>> -> memref<128xi32, #tpu.memory_space<vmem>>
        %dma_start3A_20 = arith.constant 0 : i32
        %dma_start3A_21 = arith.constant 0 : i32
        %dma_start3A_22 = tpu.memref_slice %arg8[%dma_start3A_20, %dma_start3A_21] : memref<10112x128xf32, #tpu.memory_space<vmem_shared>> -> memref<10112x128xf32, #tpu.memory_space<vmem_shared>>
        tpu.enqueue_indirect_dma source(%arg7 : memref<128x128xf32, #tpu.memory_space<vmem>>) target(%dma_start3A_22 : memref<10112x128xf32, #tpu.memory_space<vmem_shared>>) offsets(%dma_start3A_19 : memref<128xi32, #tpu.memory_space<vmem>>) semaphore(%run_scoped3A : memref<!tpu.dma_semaphore, #tpu.memory_space<semaphore_mem>>) {add = true}
        %dma_wait3A = arith.constant 0 : i32
        %dma_wait3A_23 = tpu.memref_slice %arg6[%scan3A_17, %dma_wait3A] : memref<80x128xi32, #tpu.memory_space<vmem>> -> memref<1x128xi32, #tpu.memory_space<vmem>>
        %dma_wait3A_24 = tpu.memref_squeeze %dma_wait3A_23 : memref<1x128xi32, #tpu.memory_space<vmem>> -> memref<128xi32, #tpu.memory_space<vmem>>
        %dma_wait3A_25 = arith.constant 0 : i32
        %dma_wait3A_26 = arith.constant 0 : i32
        %dma_wait3A_27 = tpu.memref_slice %arg8[%dma_wait3A_25, %dma_wait3A_26] : memref<10112x128xf32, #tpu.memory_space<vmem_shared>> -> memref<10112x128xf32, #tpu.memory_space<vmem_shared>>
        tpu.wait_indirect_dma semaphore(%run_scoped3A : memref<!tpu.dma_semaphore, #tpu.memory_space<semaphore_mem>>) src(%arg7 : memref<128x128xf32, #tpu.memory_space<vmem>>) dst(%dma_wait3A_27 : memref<10112x128xf32, #tpu.memory_space<vmem_shared>>)
        tpu.yield
      }) : () -> ()
    }
    %scan3A_11 = arith.constant 80 : i32
    %barrier3A_12 = arith.constant 0 : index
    tpu.barrier barrier_id(%barrier3A_12)
    %mul3A_13 = arith.constant 632 : i32
    %mul3A_14 = arith.muli %arg1, %mul3A_13 : i32
    %mul3A_15 = arith.constant 632 : i32
    %mul3A_16 = arith.muli %arg1, %mul3A_15 : i32
    "tpu.region"() ({
      %run_scoped3A = tpu.sem_alloc : memref<!tpu.dma_semaphore, #tpu.memory_space<semaphore_mem>>
      %dma_start3A = arith.constant 0 : i32
      %dma_start3A_17 = tpu.memref_slice %arg5[%arg0, %mul3A_16, %dma_start3A] : memref<2x10112x128xf32, #tpu.memory_space<hbm>> -> memref<1x632x128xf32, #tpu.memory_space<hbm>>
      %dma_start3A_18 = tpu.memref_squeeze %dma_start3A_17 : memref<1x632x128xf32, #tpu.memory_space<hbm>> -> memref<632x128xf32, #tpu.memory_space<hbm>>
      %dma_start3A_19 = arith.constant 0 : i32
      %dma_start3A_20 = tpu.memref_slice %arg8[%mul3A_14, %dma_start3A_19] : memref<10112x128xf32, #tpu.memory_space<vmem_shared>> -> memref<632x128xf32, #tpu.memory_space<vmem_shared>>
      tpu.enqueue_dma source(%dma_start3A_20 : memref<632x128xf32, #tpu.memory_space<vmem_shared>>) target(%dma_start3A_18 : memref<632x128xf32, #tpu.memory_space<hbm>>) target_semaphore(%run_scoped3A : memref<!tpu.dma_semaphore, #tpu.memory_space<semaphore_mem>>)
      %dma_wait3A = arith.constant 0 : i32
      %dma_wait3A_21 = tpu.memref_slice %arg5[%arg0, %mul3A_16, %dma_wait3A] : memref<2x10112x128xf32, #tpu.memory_space<hbm>> -> memref<1x632x128xf32, #tpu.memory_space<hbm>>
      %dma_wait3A_22 = tpu.memref_squeeze %dma_wait3A_21 : memref<1x632x128xf32, #tpu.memory_space<hbm>> -> memref<632x128xf32, #tpu.memory_space<hbm>>
      %dma_wait3A_23 = arith.constant 0 : i32
      %dma_wait3A_24 = tpu.memref_slice %arg8[%mul3A_14, %dma_wait3A_23] : memref<10112x128xf32, #tpu.memory_space<vmem_shared>> -> memref<632x128xf32, #tpu.memory_space<vmem_shared>>
      tpu.wait_dma2 semaphore(%run_scoped3A : memref<!tpu.dma_semaphore, #tpu.memory_space<semaphore_mem>>) src(%dma_wait3A_24 : memref<632x128xf32, #tpu.memory_space<vmem_shared>>) dst(%dma_wait3A_22 : memref<632x128xf32, #tpu.memory_space<hbm>>)
      tpu.yield
    }) : () -> ()
    return
  }
}

#map = affine_map<(d0, d1) -> (0, 0)>
#map1 = affine_map<(d0, d1) -> (0, 0, 0)>
module attributes {stable_mosaic.version = 14 : i64} {
  func.func @_agg_body(%arg0: i32, %arg1: i32, %arg2: memref<10000x128xf32, #tpu.memory_space<hbm>>, %arg3: memref<2560x128xi32, #tpu.memory_space<hbm>>, %arg4: memref<2560x128xi32, #tpu.memory_space<hbm>>, %arg5: memref<10112x128xf32, #tpu.memory_space<hbm>>, %arg6: memref<2x10112x128xf32, #tpu.memory_space<hbm>>, %arg7: memref<40x128xi32, #tpu.memory_space<vmem>>, %arg8: memref<40x128xi32, #tpu.memory_space<vmem>>, %arg9: memref<128x128xf32, #tpu.memory_space<vmem>>, %arg10: memref<128x128xf32, #tpu.memory_space<vmem>>, %arg11: memref<10112x128xf32, #tpu.memory_space<vmem_shared>>, %arg12: memref<!tpu.dma_semaphore, #tpu.memory_space<semaphore_mem>>, %arg13: memref<!tpu.dma_semaphore, #tpu.memory_space<semaphore_mem>>) attributes {dimension_semantics = [#tpu.dimension_semantics<core_parallel>, #tpu.dimension_semantics<subcore_parallel>], iteration_bounds = array<i64: 2, 16>, scalar_prefetch = 0 : i64, scratch_operands = 7 : i64, tpu.core_type = #tpu.core_type<sc_vector_subcore>, window_params = [{transform_indices = #map}, {transform_indices = #map}, {transform_indices = #map}, {transform_indices = #map}, {transform_indices = #map1}]} {
    %mul3A = arith.constant 632 : i32
    %mul3A_0 = arith.muli %arg1, %mul3A : i32
    %mul3A_1 = arith.constant 632 : i32
    %mul3A_2 = arith.muli %arg1, %mul3A_1 : i32
    "tpu.region"() ({
      %run_scoped3A = tpu.sem_alloc : memref<!tpu.dma_semaphore, #tpu.memory_space<semaphore_mem>>
      %dma_start3A = arith.constant 0 : i32
      %dma_start3A_24 = tpu.memref_slice %arg11[%mul3A_2, %dma_start3A] : memref<10112x128xf32, #tpu.memory_space<vmem_shared>> -> memref<632x128xf32, #tpu.memory_space<vmem_shared>>
      %dma_start3A_25 = arith.constant 0 : i32
      %dma_start3A_26 = tpu.memref_slice %arg5[%mul3A_0, %dma_start3A_25] : memref<10112x128xf32, #tpu.memory_space<hbm>> -> memref<632x128xf32, #tpu.memory_space<hbm>>
      tpu.enqueue_dma source(%dma_start3A_26 : memref<632x128xf32, #tpu.memory_space<hbm>>) target(%dma_start3A_24 : memref<632x128xf32, #tpu.memory_space<vmem_shared>>) target_semaphore(%run_scoped3A : memref<!tpu.dma_semaphore, #tpu.memory_space<semaphore_mem>>)
      %dma_wait3A = arith.constant 0 : i32
      %dma_wait3A_27 = tpu.memref_slice %arg11[%mul3A_2, %dma_wait3A] : memref<10112x128xf32, #tpu.memory_space<vmem_shared>> -> memref<632x128xf32, #tpu.memory_space<vmem_shared>>
      %dma_wait3A_28 = arith.constant 0 : i32
      %dma_wait3A_29 = tpu.memref_slice %arg5[%mul3A_0, %dma_wait3A_28] : memref<10112x128xf32, #tpu.memory_space<hbm>> -> memref<632x128xf32, #tpu.memory_space<hbm>>
      tpu.wait_dma2 semaphore(%run_scoped3A : memref<!tpu.dma_semaphore, #tpu.memory_space<semaphore_mem>>) src(%dma_wait3A_29 : memref<632x128xf32, #tpu.memory_space<hbm>>) dst(%dma_wait3A_27 : memref<632x128xf32, #tpu.memory_space<vmem_shared>>)
      tpu.yield
    }) : () -> ()
    %barrier3A = arith.constant 0 : index
    tpu.barrier barrier_id(%barrier3A)
    %mul3A_3 = arith.constant 160 : i32
    %mul3A_4 = arith.muli %arg1, %mul3A_3 : i32
    %mul3A_5 = arith.constant 120 : i32
    %mul3A_6 = arith.muli %arg0, %mul3A_5 : i32
    %add3A = arith.addi %mul3A_4, %mul3A_6 : i32
    %eq3A = arith.constant 0 : i32
    %eq3A_7 = arith.cmpi eq, %arg0, %eq3A : i32
    %select_n3A = arith.constant 1 : i32
    %select_n3A_8 = arith.constant 3 : i32
    %select_n3A_9 = arith.select %eq3A_7, %select_n3A_8, %select_n3A : i32
    %while3A = arith.constant 0 : i32
    %while3A_10 = arith.constant 0 : i32
    %while3A_11 = arith.subi %select_n3A_9, %while3A_10 : i32
    %while3A_12 = arith.addi %while3A_10, %while3A_11 : i32
    %while3A_13 = arith.constant 1 : i32
    %while3A_14 = arith.divsi %while3A_11, %while3A_13 : i32
    %while3A_15 = arith.muli %while3A_14, %while3A_13 : i32
    %while3A_16 = arith.addi %while3A_10, %while3A_15 : i32
    %while3A_17 = arith.constant 1 : i32
    scf.for %while3A_24 = %while3A_10 to %while3A_16 step %while3A_17  : i32 {
      %mul3A_25 = arith.constant 40 : i32
      %mul3A_26 = arith.muli %while3A_24, %mul3A_25 : i32
      %add3A_27 = arith.addi %add3A, %mul3A_26 : i32
      "tpu.region"() ({
        %run_scoped3A = tpu.sem_alloc : memref<!tpu.dma_semaphore, #tpu.memory_space<semaphore_mem>>
        %dma_start3A_49 = arith.constant 0 : i32
        %dma_start3A_50 = tpu.memref_slice %arg3[%add3A_27, %dma_start3A_49] : memref<2560x128xi32, #tpu.memory_space<hbm>> -> memref<40x128xi32, #tpu.memory_space<hbm>>
        %dma_start3A_51 = arith.constant 0 : i32
        %dma_start3A_52 = tpu.memref_slice %arg3[%add3A_27, %dma_start3A_51] : memref<2560x128xi32, #tpu.memory_space<hbm>> -> memref<40x128xi32, #tpu.memory_space<hbm>>
        tpu.enqueue_dma source(%dma_start3A_52 : memref<40x128xi32, #tpu.memory_space<hbm>>) target(%arg7 : memref<40x128xi32, #tpu.memory_space<vmem>>) target_semaphore(%run_scoped3A : memref<!tpu.dma_semaphore, #tpu.memory_space<semaphore_mem>>)
        %dma_wait3A = arith.constant 0 : i32
        %dma_wait3A_53 = tpu.memref_slice %arg3[%add3A_27, %dma_wait3A] : memref<2560x128xi32, #tpu.memory_space<hbm>> -> memref<40x128xi32, #tpu.memory_space<hbm>>
        %dma_wait3A_54 = arith.constant 0 : i32
        %dma_wait3A_55 = tpu.memref_slice %arg3[%add3A_27, %dma_wait3A_54] : memref<2560x128xi32, #tpu.memory_space<hbm>> -> memref<40x128xi32, #tpu.memory_space<hbm>>
        tpu.wait_dma2 semaphore(%run_scoped3A : memref<!tpu.dma_semaphore, #tpu.memory_space<semaphore_mem>>) src(%dma_wait3A_55 : memref<40x128xi32, #tpu.memory_space<hbm>>) dst(%arg7 : memref<40x128xi32, #tpu.memory_space<vmem>>)
        tpu.yield
      }) : () -> ()
      %mul3A_28 = arith.constant 40 : i32
      %mul3A_29 = arith.muli %while3A_24, %mul3A_28 : i32
      %add3A_30 = arith.addi %add3A, %mul3A_29 : i32
      "tpu.region"() ({
        %run_scoped3A = tpu.sem_alloc : memref<!tpu.dma_semaphore, #tpu.memory_space<semaphore_mem>>
        %dma_start3A_49 = arith.constant 0 : i32
        %dma_start3A_50 = tpu.memref_slice %arg4[%add3A_30, %dma_start3A_49] : memref<2560x128xi32, #tpu.memory_space<hbm>> -> memref<40x128xi32, #tpu.memory_space<hbm>>
        %dma_start3A_51 = arith.constant 0 : i32
        %dma_start3A_52 = tpu.memref_slice %arg4[%add3A_30, %dma_start3A_51] : memref<2560x128xi32, #tpu.memory_space<hbm>> -> memref<40x128xi32, #tpu.memory_space<hbm>>
        tpu.enqueue_dma source(%dma_start3A_52 : memref<40x128xi32, #tpu.memory_space<hbm>>) target(%arg8 : memref<40x128xi32, #tpu.memory_space<vmem>>) target_semaphore(%run_scoped3A : memref<!tpu.dma_semaphore, #tpu.memory_space<semaphore_mem>>)
        %dma_wait3A = arith.constant 0 : i32
        %dma_wait3A_53 = tpu.memref_slice %arg4[%add3A_30, %dma_wait3A] : memref<2560x128xi32, #tpu.memory_space<hbm>> -> memref<40x128xi32, #tpu.memory_space<hbm>>
        %dma_wait3A_54 = arith.constant 0 : i32
        %dma_wait3A_55 = tpu.memref_slice %arg4[%add3A_30, %dma_wait3A_54] : memref<2560x128xi32, #tpu.memory_space<hbm>> -> memref<40x128xi32, #tpu.memory_space<hbm>>
        tpu.wait_dma2 semaphore(%run_scoped3A : memref<!tpu.dma_semaphore, #tpu.memory_space<semaphore_mem>>) src(%dma_wait3A_55 : memref<40x128xi32, #tpu.memory_space<hbm>>) dst(%arg8 : memref<40x128xi32, #tpu.memory_space<vmem>>)
        tpu.yield
      }) : () -> ()
      %dma_start3A = arith.constant 0 : i32
      %dma_start3A_31 = arith.constant 0 : i32
      %dma_start3A_32 = tpu.memref_slice %arg7[%dma_start3A, %dma_start3A_31] : memref<40x128xi32, #tpu.memory_space<vmem>> -> memref<1x128xi32, #tpu.memory_space<vmem>>
      %dma_start3A_33 = tpu.memref_squeeze %dma_start3A_32 : memref<1x128xi32, #tpu.memory_space<vmem>> -> memref<128xi32, #tpu.memory_space<vmem>>
      %dma_start3A_34 = arith.constant 0 : i32
      %dma_start3A_35 = arith.constant 0 : i32
      %dma_start3A_36 = tpu.memref_slice %arg2[%dma_start3A_34, %dma_start3A_35] : memref<10000x128xf32, #tpu.memory_space<hbm>> -> memref<10000x128xf32, #tpu.memory_space<hbm>>
      tpu.enqueue_indirect_dma source(%dma_start3A_36 : memref<10000x128xf32, #tpu.memory_space<hbm>>) target(%arg9 : memref<128x128xf32, #tpu.memory_space<vmem>>) offsets(%dma_start3A_33 : memref<128xi32, #tpu.memory_space<vmem>>) semaphore(%arg12 : memref<!tpu.dma_semaphore, #tpu.memory_space<semaphore_mem>>)
      %dma_start3A_37 = arith.constant 1 : i32
      %dma_start3A_38 = arith.constant 0 : i32
      %dma_start3A_39 = tpu.memref_slice %arg7[%dma_start3A_37, %dma_start3A_38] : memref<40x128xi32, #tpu.memory_space<vmem>> -> memref<1x128xi32, #tpu.memory_space<vmem>>
      %dma_start3A_40 = tpu.memref_squeeze %dma_start3A_39 : memref<1x128xi32, #tpu.memory_space<vmem>> -> memref<128xi32, #tpu.memory_space<vmem>>
      %dma_start3A_41 = arith.constant 0 : i32
      %dma_start3A_42 = arith.constant 0 : i32
      %dma_start3A_43 = tpu.memref_slice %arg2[%dma_start3A_41, %dma_start3A_42] : memref<10000x128xf32, #tpu.memory_space<hbm>> -> memref<10000x128xf32, #tpu.memory_space<hbm>>
      tpu.enqueue_indirect_dma source(%dma_start3A_43 : memref<10000x128xf32, #tpu.memory_space<hbm>>) target(%arg10 : memref<128x128xf32, #tpu.memory_space<vmem>>) offsets(%dma_start3A_40 : memref<128xi32, #tpu.memory_space<vmem>>) semaphore(%arg13 : memref<!tpu.dma_semaphore, #tpu.memory_space<semaphore_mem>>)
      %scan3A = arith.constant 0 : i32
      %scan3A_44 = arith.constant 0 : i32
      %scan3A_45 = arith.constant 20 : i32
      %scan3A_46 = arith.addi %scan3A_44, %scan3A_45 : i32
      %scan3A_47 = arith.constant 1 : i32
      scf.for %scan3A_49 = %scan3A_44 to %scan3A_46 step %scan3A_47  : i32 {
        %mul3A_50 = arith.constant 2 : i32
        %mul3A_51 = arith.muli %scan3A_49, %mul3A_50 : i32
        %add3A_52 = arith.constant 0 : i32
        %add3A_53 = arith.addi %mul3A_51, %add3A_52 : i32
        %dma_wait3A = arith.constant 0 : i32
        %dma_wait3A_54 = tpu.memref_slice %arg7[%add3A_53, %dma_wait3A] : memref<40x128xi32, #tpu.memory_space<vmem>> -> memref<1x128xi32, #tpu.memory_space<vmem>>
        %dma_wait3A_55 = tpu.memref_squeeze %dma_wait3A_54 : memref<1x128xi32, #tpu.memory_space<vmem>> -> memref<128xi32, #tpu.memory_space<vmem>>
        %dma_wait3A_56 = arith.constant 0 : i32
        %dma_wait3A_57 = arith.constant 0 : i32
        %dma_wait3A_58 = tpu.memref_slice %arg2[%dma_wait3A_56, %dma_wait3A_57] : memref<10000x128xf32, #tpu.memory_space<hbm>> -> memref<10000x128xf32, #tpu.memory_space<hbm>>
        tpu.wait_indirect_dma semaphore(%arg12 : memref<!tpu.dma_semaphore, #tpu.memory_space<semaphore_mem>>) src(%dma_wait3A_58 : memref<10000x128xf32, #tpu.memory_space<hbm>>) dst(%arg9 : memref<128x128xf32, #tpu.memory_space<vmem>>)
        "tpu.region"() ({
          %run_scoped3A = tpu.sem_alloc : memref<!tpu.dma_semaphore, #tpu.memory_space<semaphore_mem>>
          %dma_start3A_80 = arith.constant 0 : i32
          %dma_start3A_81 = tpu.memref_slice %arg8[%add3A_53, %dma_start3A_80] : memref<40x128xi32, #tpu.memory_space<vmem>> -> memref<1x128xi32, #tpu.memory_space<vmem>>
          %dma_start3A_82 = tpu.memref_squeeze %dma_start3A_81 : memref<1x128xi32, #tpu.memory_space<vmem>> -> memref<128xi32, #tpu.memory_space<vmem>>
          %dma_start3A_83 = arith.constant 0 : i32
          %dma_start3A_84 = arith.constant 0 : i32
          %dma_start3A_85 = tpu.memref_slice %arg11[%dma_start3A_83, %dma_start3A_84] : memref<10112x128xf32, #tpu.memory_space<vmem_shared>> -> memref<10112x128xf32, #tpu.memory_space<vmem_shared>>
          tpu.enqueue_indirect_dma source(%arg9 : memref<128x128xf32, #tpu.memory_space<vmem>>) target(%dma_start3A_85 : memref<10112x128xf32, #tpu.memory_space<vmem_shared>>) offsets(%dma_start3A_82 : memref<128xi32, #tpu.memory_space<vmem>>) semaphore(%run_scoped3A : memref<!tpu.dma_semaphore, #tpu.memory_space<semaphore_mem>>) {add = true}
          %dma_wait3A_86 = arith.constant 0 : i32
          %dma_wait3A_87 = tpu.memref_slice %arg8[%add3A_53, %dma_wait3A_86] : memref<40x128xi32, #tpu.memory_space<vmem>> -> memref<1x128xi32, #tpu.memory_space<vmem>>
          %dma_wait3A_88 = tpu.memref_squeeze %dma_wait3A_87 : memref<1x128xi32, #tpu.memory_space<vmem>> -> memref<128xi32, #tpu.memory_space<vmem>>
          %dma_wait3A_89 = arith.constant 0 : i32
          %dma_wait3A_90 = arith.constant 0 : i32
          %dma_wait3A_91 = tpu.memref_slice %arg11[%dma_wait3A_89, %dma_wait3A_90] : memref<10112x128xf32, #tpu.memory_space<vmem_shared>> -> memref<10112x128xf32, #tpu.memory_space<vmem_shared>>
          tpu.wait_indirect_dma semaphore(%run_scoped3A : memref<!tpu.dma_semaphore, #tpu.memory_space<semaphore_mem>>) src(%arg9 : memref<128x128xf32, #tpu.memory_space<vmem>>) dst(%dma_wait3A_91 : memref<10112x128xf32, #tpu.memory_space<vmem_shared>>)
          tpu.yield
        }) : () -> ()
        %add3A_59 = arith.constant 2 : i32
        %add3A_60 = arith.addi %add3A_53, %add3A_59 : i32
        %lt3A = arith.constant 40 : i32
        %lt3A_61 = arith.cmpi slt, %add3A_60, %lt3A : i32
        %convert_element_type3A = arith.extui %lt3A_61 : i1 to i32
        %cond3A = arith.constant 0 : i32
        %cond3A_62 = arith.cmpi ne, %convert_element_type3A, %cond3A : i32
        scf.if %cond3A_62 {
          %add3A_80 = arith.constant 2 : i32
          %add3A_81 = arith.addi %add3A_53, %add3A_80 : i32
          %dma_start3A_82 = arith.constant 0 : i32
          %dma_start3A_83 = tpu.memref_slice %arg7[%add3A_81, %dma_start3A_82] : memref<40x128xi32, #tpu.memory_space<vmem>> -> memref<1x128xi32, #tpu.memory_space<vmem>>
          %dma_start3A_84 = tpu.memref_squeeze %dma_start3A_83 : memref<1x128xi32, #tpu.memory_space<vmem>> -> memref<128xi32, #tpu.memory_space<vmem>>
          %dma_start3A_85 = arith.constant 0 : i32
          %dma_start3A_86 = arith.constant 0 : i32
          %dma_start3A_87 = tpu.memref_slice %arg2[%dma_start3A_85, %dma_start3A_86] : memref<10000x128xf32, #tpu.memory_space<hbm>> -> memref<10000x128xf32, #tpu.memory_space<hbm>>
          tpu.enqueue_indirect_dma source(%dma_start3A_87 : memref<10000x128xf32, #tpu.memory_space<hbm>>) target(%arg9 : memref<128x128xf32, #tpu.memory_space<vmem>>) offsets(%dma_start3A_84 : memref<128xi32, #tpu.memory_space<vmem>>) semaphore(%arg12 : memref<!tpu.dma_semaphore, #tpu.memory_space<semaphore_mem>>)
        } else {
        }
        %mul3A_63 = arith.constant 2 : i32
        %mul3A_64 = arith.muli %scan3A_49, %mul3A_63 : i32
        %add3A_65 = arith.constant 1 : i32
        %add3A_66 = arith.addi %mul3A_64, %add3A_65 : i32
        %dma_wait3A_67 = arith.constant 0 : i32
        %dma_wait3A_68 = tpu.memref_slice %arg7[%add3A_66, %dma_wait3A_67] : memref<40x128xi32, #tpu.memory_space<vmem>> -> memref<1x128xi32, #tpu.memory_space<vmem>>
        %dma_wait3A_69 = tpu.memref_squeeze %dma_wait3A_68 : memref<1x128xi32, #tpu.memory_space<vmem>> -> memref<128xi32, #tpu.memory_space<vmem>>
        %dma_wait3A_70 = arith.constant 0 : i32
        %dma_wait3A_71 = arith.constant 0 : i32
        %dma_wait3A_72 = tpu.memref_slice %arg2[%dma_wait3A_70, %dma_wait3A_71] : memref<10000x128xf32, #tpu.memory_space<hbm>> -> memref<10000x128xf32, #tpu.memory_space<hbm>>
        tpu.wait_indirect_dma semaphore(%arg13 : memref<!tpu.dma_semaphore, #tpu.memory_space<semaphore_mem>>) src(%dma_wait3A_72 : memref<10000x128xf32, #tpu.memory_space<hbm>>) dst(%arg10 : memref<128x128xf32, #tpu.memory_space<vmem>>)
        "tpu.region"() ({
          %run_scoped3A = tpu.sem_alloc : memref<!tpu.dma_semaphore, #tpu.memory_space<semaphore_mem>>
          %dma_start3A_80 = arith.constant 0 : i32
          %dma_start3A_81 = tpu.memref_slice %arg8[%add3A_66, %dma_start3A_80] : memref<40x128xi32, #tpu.memory_space<vmem>> -> memref<1x128xi32, #tpu.memory_space<vmem>>
          %dma_start3A_82 = tpu.memref_squeeze %dma_start3A_81 : memref<1x128xi32, #tpu.memory_space<vmem>> -> memref<128xi32, #tpu.memory_space<vmem>>
          %dma_start3A_83 = arith.constant 0 : i32
          %dma_start3A_84 = arith.constant 0 : i32
          %dma_start3A_85 = tpu.memref_slice %arg11[%dma_start3A_83, %dma_start3A_84] : memref<10112x128xf32, #tpu.memory_space<vmem_shared>> -> memref<10112x128xf32, #tpu.memory_space<vmem_shared>>
          tpu.enqueue_indirect_dma source(%arg10 : memref<128x128xf32, #tpu.memory_space<vmem>>) target(%dma_start3A_85 : memref<10112x128xf32, #tpu.memory_space<vmem_shared>>) offsets(%dma_start3A_82 : memref<128xi32, #tpu.memory_space<vmem>>) semaphore(%run_scoped3A : memref<!tpu.dma_semaphore, #tpu.memory_space<semaphore_mem>>) {add = true}
          %dma_wait3A_86 = arith.constant 0 : i32
          %dma_wait3A_87 = tpu.memref_slice %arg8[%add3A_66, %dma_wait3A_86] : memref<40x128xi32, #tpu.memory_space<vmem>> -> memref<1x128xi32, #tpu.memory_space<vmem>>
          %dma_wait3A_88 = tpu.memref_squeeze %dma_wait3A_87 : memref<1x128xi32, #tpu.memory_space<vmem>> -> memref<128xi32, #tpu.memory_space<vmem>>
          %dma_wait3A_89 = arith.constant 0 : i32
          %dma_wait3A_90 = arith.constant 0 : i32
          %dma_wait3A_91 = tpu.memref_slice %arg11[%dma_wait3A_89, %dma_wait3A_90] : memref<10112x128xf32, #tpu.memory_space<vmem_shared>> -> memref<10112x128xf32, #tpu.memory_space<vmem_shared>>
          tpu.wait_indirect_dma semaphore(%run_scoped3A : memref<!tpu.dma_semaphore, #tpu.memory_space<semaphore_mem>>) src(%arg10 : memref<128x128xf32, #tpu.memory_space<vmem>>) dst(%dma_wait3A_91 : memref<10112x128xf32, #tpu.memory_space<vmem_shared>>)
          tpu.yield
        }) : () -> ()
        %add3A_73 = arith.constant 2 : i32
        %add3A_74 = arith.addi %add3A_66, %add3A_73 : i32
        %lt3A_75 = arith.constant 40 : i32
        %lt3A_76 = arith.cmpi slt, %add3A_74, %lt3A_75 : i32
        %convert_element_type3A_77 = arith.extui %lt3A_76 : i1 to i32
        %cond3A_78 = arith.constant 0 : i32
        %cond3A_79 = arith.cmpi ne, %convert_element_type3A_77, %cond3A_78 : i32
        scf.if %cond3A_79 {
          %add3A_80 = arith.constant 2 : i32
          %add3A_81 = arith.addi %add3A_66, %add3A_80 : i32
          %dma_start3A_82 = arith.constant 0 : i32
          %dma_start3A_83 = tpu.memref_slice %arg7[%add3A_81, %dma_start3A_82] : memref<40x128xi32, #tpu.memory_space<vmem>> -> memref<1x128xi32, #tpu.memory_space<vmem>>
          %dma_start3A_84 = tpu.memref_squeeze %dma_start3A_83 : memref<1x128xi32, #tpu.memory_space<vmem>> -> memref<128xi32, #tpu.memory_space<vmem>>
          %dma_start3A_85 = arith.constant 0 : i32
          %dma_start3A_86 = arith.constant 0 : i32
          %dma_start3A_87 = tpu.memref_slice %arg2[%dma_start3A_85, %dma_start3A_86] : memref<10000x128xf32, #tpu.memory_space<hbm>> -> memref<10000x128xf32, #tpu.memory_space<hbm>>
          tpu.enqueue_indirect_dma source(%dma_start3A_87 : memref<10000x128xf32, #tpu.memory_space<hbm>>) target(%arg10 : memref<128x128xf32, #tpu.memory_space<vmem>>) offsets(%dma_start3A_84 : memref<128xi32, #tpu.memory_space<vmem>>) semaphore(%arg13 : memref<!tpu.dma_semaphore, #tpu.memory_space<semaphore_mem>>)
        } else {
        }
      }
      %scan3A_48 = arith.constant 20 : i32
    }
    %while3A_18 = arith.constant 1 : i32
    scf.for %while3A_24 = %while3A_16 to %while3A_12 step %while3A_18  : i32 {
      %mul3A_25 = arith.constant 40 : i32
      %mul3A_26 = arith.muli %while3A_24, %mul3A_25 : i32
      %add3A_27 = arith.addi %add3A, %mul3A_26 : i32
      "tpu.region"() ({
        %run_scoped3A = tpu.sem_alloc : memref<!tpu.dma_semaphore, #tpu.memory_space<semaphore_mem>>
        %dma_start3A_49 = arith.constant 0 : i32
        %dma_start3A_50 = tpu.memref_slice %arg3[%add3A_27, %dma_start3A_49] : memref<2560x128xi32, #tpu.memory_space<hbm>> -> memref<40x128xi32, #tpu.memory_space<hbm>>
        %dma_start3A_51 = arith.constant 0 : i32
        %dma_start3A_52 = tpu.memref_slice %arg3[%add3A_27, %dma_start3A_51] : memref<2560x128xi32, #tpu.memory_space<hbm>> -> memref<40x128xi32, #tpu.memory_space<hbm>>
        tpu.enqueue_dma source(%dma_start3A_52 : memref<40x128xi32, #tpu.memory_space<hbm>>) target(%arg7 : memref<40x128xi32, #tpu.memory_space<vmem>>) target_semaphore(%run_scoped3A : memref<!tpu.dma_semaphore, #tpu.memory_space<semaphore_mem>>)
        %dma_wait3A = arith.constant 0 : i32
        %dma_wait3A_53 = tpu.memref_slice %arg3[%add3A_27, %dma_wait3A] : memref<2560x128xi32, #tpu.memory_space<hbm>> -> memref<40x128xi32, #tpu.memory_space<hbm>>
        %dma_wait3A_54 = arith.constant 0 : i32
        %dma_wait3A_55 = tpu.memref_slice %arg3[%add3A_27, %dma_wait3A_54] : memref<2560x128xi32, #tpu.memory_space<hbm>> -> memref<40x128xi32, #tpu.memory_space<hbm>>
        tpu.wait_dma2 semaphore(%run_scoped3A : memref<!tpu.dma_semaphore, #tpu.memory_space<semaphore_mem>>) src(%dma_wait3A_55 : memref<40x128xi32, #tpu.memory_space<hbm>>) dst(%arg7 : memref<40x128xi32, #tpu.memory_space<vmem>>)
        tpu.yield
      }) : () -> ()
      %mul3A_28 = arith.constant 40 : i32
      %mul3A_29 = arith.muli %while3A_24, %mul3A_28 : i32
      %add3A_30 = arith.addi %add3A, %mul3A_29 : i32
      "tpu.region"() ({
        %run_scoped3A = tpu.sem_alloc : memref<!tpu.dma_semaphore, #tpu.memory_space<semaphore_mem>>
        %dma_start3A_49 = arith.constant 0 : i32
        %dma_start3A_50 = tpu.memref_slice %arg4[%add3A_30, %dma_start3A_49] : memref<2560x128xi32, #tpu.memory_space<hbm>> -> memref<40x128xi32, #tpu.memory_space<hbm>>
        %dma_start3A_51 = arith.constant 0 : i32
        %dma_start3A_52 = tpu.memref_slice %arg4[%add3A_30, %dma_start3A_51] : memref<2560x128xi32, #tpu.memory_space<hbm>> -> memref<40x128xi32, #tpu.memory_space<hbm>>
        tpu.enqueue_dma source(%dma_start3A_52 : memref<40x128xi32, #tpu.memory_space<hbm>>) target(%arg8 : memref<40x128xi32, #tpu.memory_space<vmem>>) target_semaphore(%run_scoped3A : memref<!tpu.dma_semaphore, #tpu.memory_space<semaphore_mem>>)
        %dma_wait3A = arith.constant 0 : i32
        %dma_wait3A_53 = tpu.memref_slice %arg4[%add3A_30, %dma_wait3A] : memref<2560x128xi32, #tpu.memory_space<hbm>> -> memref<40x128xi32, #tpu.memory_space<hbm>>
        %dma_wait3A_54 = arith.constant 0 : i32
        %dma_wait3A_55 = tpu.memref_slice %arg4[%add3A_30, %dma_wait3A_54] : memref<2560x128xi32, #tpu.memory_space<hbm>> -> memref<40x128xi32, #tpu.memory_space<hbm>>
        tpu.wait_dma2 semaphore(%run_scoped3A : memref<!tpu.dma_semaphore, #tpu.memory_space<semaphore_mem>>) src(%dma_wait3A_55 : memref<40x128xi32, #tpu.memory_space<hbm>>) dst(%arg8 : memref<40x128xi32, #tpu.memory_space<vmem>>)
        tpu.yield
      }) : () -> ()
      %dma_start3A = arith.constant 0 : i32
      %dma_start3A_31 = arith.constant 0 : i32
      %dma_start3A_32 = tpu.memref_slice %arg7[%dma_start3A, %dma_start3A_31] : memref<40x128xi32, #tpu.memory_space<vmem>> -> memref<1x128xi32, #tpu.memory_space<vmem>>
      %dma_start3A_33 = tpu.memref_squeeze %dma_start3A_32 : memref<1x128xi32, #tpu.memory_space<vmem>> -> memref<128xi32, #tpu.memory_space<vmem>>
      %dma_start3A_34 = arith.constant 0 : i32
      %dma_start3A_35 = arith.constant 0 : i32
      %dma_start3A_36 = tpu.memref_slice %arg2[%dma_start3A_34, %dma_start3A_35] : memref<10000x128xf32, #tpu.memory_space<hbm>> -> memref<10000x128xf32, #tpu.memory_space<hbm>>
      tpu.enqueue_indirect_dma source(%dma_start3A_36 : memref<10000x128xf32, #tpu.memory_space<hbm>>) target(%arg9 : memref<128x128xf32, #tpu.memory_space<vmem>>) offsets(%dma_start3A_33 : memref<128xi32, #tpu.memory_space<vmem>>) semaphore(%arg12 : memref<!tpu.dma_semaphore, #tpu.memory_space<semaphore_mem>>)
      %dma_start3A_37 = arith.constant 1 : i32
      %dma_start3A_38 = arith.constant 0 : i32
      %dma_start3A_39 = tpu.memref_slice %arg7[%dma_start3A_37, %dma_start3A_38] : memref<40x128xi32, #tpu.memory_space<vmem>> -> memref<1x128xi32, #tpu.memory_space<vmem>>
      %dma_start3A_40 = tpu.memref_squeeze %dma_start3A_39 : memref<1x128xi32, #tpu.memory_space<vmem>> -> memref<128xi32, #tpu.memory_space<vmem>>
      %dma_start3A_41 = arith.constant 0 : i32
      %dma_start3A_42 = arith.constant 0 : i32
      %dma_start3A_43 = tpu.memref_slice %arg2[%dma_start3A_41, %dma_start3A_42] : memref<10000x128xf32, #tpu.memory_space<hbm>> -> memref<10000x128xf32, #tpu.memory_space<hbm>>
      tpu.enqueue_indirect_dma source(%dma_start3A_43 : memref<10000x128xf32, #tpu.memory_space<hbm>>) target(%arg10 : memref<128x128xf32, #tpu.memory_space<vmem>>) offsets(%dma_start3A_40 : memref<128xi32, #tpu.memory_space<vmem>>) semaphore(%arg13 : memref<!tpu.dma_semaphore, #tpu.memory_space<semaphore_mem>>)
      %scan3A = arith.constant 0 : i32
      %scan3A_44 = arith.constant 0 : i32
      %scan3A_45 = arith.constant 20 : i32
      %scan3A_46 = arith.addi %scan3A_44, %scan3A_45 : i32
      %scan3A_47 = arith.constant 1 : i32
      scf.for %scan3A_49 = %scan3A_44 to %scan3A_46 step %scan3A_47  : i32 {
        %mul3A_50 = arith.constant 2 : i32
        %mul3A_51 = arith.muli %scan3A_49, %mul3A_50 : i32
        %add3A_52 = arith.constant 0 : i32
        %add3A_53 = arith.addi %mul3A_51, %add3A_52 : i32
        %dma_wait3A = arith.constant 0 : i32
        %dma_wait3A_54 = tpu.memref_slice %arg7[%add3A_53, %dma_wait3A] : memref<40x128xi32, #tpu.memory_space<vmem>> -> memref<1x128xi32, #tpu.memory_space<vmem>>
        %dma_wait3A_55 = tpu.memref_squeeze %dma_wait3A_54 : memref<1x128xi32, #tpu.memory_space<vmem>> -> memref<128xi32, #tpu.memory_space<vmem>>
        %dma_wait3A_56 = arith.constant 0 : i32
        %dma_wait3A_57 = arith.constant 0 : i32
        %dma_wait3A_58 = tpu.memref_slice %arg2[%dma_wait3A_56, %dma_wait3A_57] : memref<10000x128xf32, #tpu.memory_space<hbm>> -> memref<10000x128xf32, #tpu.memory_space<hbm>>
        tpu.wait_indirect_dma semaphore(%arg12 : memref<!tpu.dma_semaphore, #tpu.memory_space<semaphore_mem>>) src(%dma_wait3A_58 : memref<10000x128xf32, #tpu.memory_space<hbm>>) dst(%arg9 : memref<128x128xf32, #tpu.memory_space<vmem>>)
        "tpu.region"() ({
          %run_scoped3A = tpu.sem_alloc : memref<!tpu.dma_semaphore, #tpu.memory_space<semaphore_mem>>
          %dma_start3A_80 = arith.constant 0 : i32
          %dma_start3A_81 = tpu.memref_slice %arg8[%add3A_53, %dma_start3A_80] : memref<40x128xi32, #tpu.memory_space<vmem>> -> memref<1x128xi32, #tpu.memory_space<vmem>>
          %dma_start3A_82 = tpu.memref_squeeze %dma_start3A_81 : memref<1x128xi32, #tpu.memory_space<vmem>> -> memref<128xi32, #tpu.memory_space<vmem>>
          %dma_start3A_83 = arith.constant 0 : i32
          %dma_start3A_84 = arith.constant 0 : i32
          %dma_start3A_85 = tpu.memref_slice %arg11[%dma_start3A_83, %dma_start3A_84] : memref<10112x128xf32, #tpu.memory_space<vmem_shared>> -> memref<10112x128xf32, #tpu.memory_space<vmem_shared>>
          tpu.enqueue_indirect_dma source(%arg9 : memref<128x128xf32, #tpu.memory_space<vmem>>) target(%dma_start3A_85 : memref<10112x128xf32, #tpu.memory_space<vmem_shared>>) offsets(%dma_start3A_82 : memref<128xi32, #tpu.memory_space<vmem>>) semaphore(%run_scoped3A : memref<!tpu.dma_semaphore, #tpu.memory_space<semaphore_mem>>) {add = true}
          %dma_wait3A_86 = arith.constant 0 : i32
          %dma_wait3A_87 = tpu.memref_slice %arg8[%add3A_53, %dma_wait3A_86] : memref<40x128xi32, #tpu.memory_space<vmem>> -> memref<1x128xi32, #tpu.memory_space<vmem>>
          %dma_wait3A_88 = tpu.memref_squeeze %dma_wait3A_87 : memref<1x128xi32, #tpu.memory_space<vmem>> -> memref<128xi32, #tpu.memory_space<vmem>>
          %dma_wait3A_89 = arith.constant 0 : i32
          %dma_wait3A_90 = arith.constant 0 : i32
          %dma_wait3A_91 = tpu.memref_slice %arg11[%dma_wait3A_89, %dma_wait3A_90] : memref<10112x128xf32, #tpu.memory_space<vmem_shared>> -> memref<10112x128xf32, #tpu.memory_space<vmem_shared>>
          tpu.wait_indirect_dma semaphore(%run_scoped3A : memref<!tpu.dma_semaphore, #tpu.memory_space<semaphore_mem>>) src(%arg9 : memref<128x128xf32, #tpu.memory_space<vmem>>) dst(%dma_wait3A_91 : memref<10112x128xf32, #tpu.memory_space<vmem_shared>>)
          tpu.yield
        }) : () -> ()
        %add3A_59 = arith.constant 2 : i32
        %add3A_60 = arith.addi %add3A_53, %add3A_59 : i32
        %lt3A = arith.constant 40 : i32
        %lt3A_61 = arith.cmpi slt, %add3A_60, %lt3A : i32
        %convert_element_type3A = arith.extui %lt3A_61 : i1 to i32
        %cond3A = arith.constant 0 : i32
        %cond3A_62 = arith.cmpi ne, %convert_element_type3A, %cond3A : i32
        scf.if %cond3A_62 {
          %add3A_80 = arith.constant 2 : i32
          %add3A_81 = arith.addi %add3A_53, %add3A_80 : i32
          %dma_start3A_82 = arith.constant 0 : i32
          %dma_start3A_83 = tpu.memref_slice %arg7[%add3A_81, %dma_start3A_82] : memref<40x128xi32, #tpu.memory_space<vmem>> -> memref<1x128xi32, #tpu.memory_space<vmem>>
          %dma_start3A_84 = tpu.memref_squeeze %dma_start3A_83 : memref<1x128xi32, #tpu.memory_space<vmem>> -> memref<128xi32, #tpu.memory_space<vmem>>
          %dma_start3A_85 = arith.constant 0 : i32
          %dma_start3A_86 = arith.constant 0 : i32
          %dma_start3A_87 = tpu.memref_slice %arg2[%dma_start3A_85, %dma_start3A_86] : memref<10000x128xf32, #tpu.memory_space<hbm>> -> memref<10000x128xf32, #tpu.memory_space<hbm>>
          tpu.enqueue_indirect_dma source(%dma_start3A_87 : memref<10000x128xf32, #tpu.memory_space<hbm>>) target(%arg9 : memref<128x128xf32, #tpu.memory_space<vmem>>) offsets(%dma_start3A_84 : memref<128xi32, #tpu.memory_space<vmem>>) semaphore(%arg12 : memref<!tpu.dma_semaphore, #tpu.memory_space<semaphore_mem>>)
        } else {
        }
        %mul3A_63 = arith.constant 2 : i32
        %mul3A_64 = arith.muli %scan3A_49, %mul3A_63 : i32
        %add3A_65 = arith.constant 1 : i32
        %add3A_66 = arith.addi %mul3A_64, %add3A_65 : i32
        %dma_wait3A_67 = arith.constant 0 : i32
        %dma_wait3A_68 = tpu.memref_slice %arg7[%add3A_66, %dma_wait3A_67] : memref<40x128xi32, #tpu.memory_space<vmem>> -> memref<1x128xi32, #tpu.memory_space<vmem>>
        %dma_wait3A_69 = tpu.memref_squeeze %dma_wait3A_68 : memref<1x128xi32, #tpu.memory_space<vmem>> -> memref<128xi32, #tpu.memory_space<vmem>>
        %dma_wait3A_70 = arith.constant 0 : i32
        %dma_wait3A_71 = arith.constant 0 : i32
        %dma_wait3A_72 = tpu.memref_slice %arg2[%dma_wait3A_70, %dma_wait3A_71] : memref<10000x128xf32, #tpu.memory_space<hbm>> -> memref<10000x128xf32, #tpu.memory_space<hbm>>
        tpu.wait_indirect_dma semaphore(%arg13 : memref<!tpu.dma_semaphore, #tpu.memory_space<semaphore_mem>>) src(%dma_wait3A_72 : memref<10000x128xf32, #tpu.memory_space<hbm>>) dst(%arg10 : memref<128x128xf32, #tpu.memory_space<vmem>>)
        "tpu.region"() ({
          %run_scoped3A = tpu.sem_alloc : memref<!tpu.dma_semaphore, #tpu.memory_space<semaphore_mem>>
          %dma_start3A_80 = arith.constant 0 : i32
          %dma_start3A_81 = tpu.memref_slice %arg8[%add3A_66, %dma_start3A_80] : memref<40x128xi32, #tpu.memory_space<vmem>> -> memref<1x128xi32, #tpu.memory_space<vmem>>
          %dma_start3A_82 = tpu.memref_squeeze %dma_start3A_81 : memref<1x128xi32, #tpu.memory_space<vmem>> -> memref<128xi32, #tpu.memory_space<vmem>>
          %dma_start3A_83 = arith.constant 0 : i32
          %dma_start3A_84 = arith.constant 0 : i32
          %dma_start3A_85 = tpu.memref_slice %arg11[%dma_start3A_83, %dma_start3A_84] : memref<10112x128xf32, #tpu.memory_space<vmem_shared>> -> memref<10112x128xf32, #tpu.memory_space<vmem_shared>>
          tpu.enqueue_indirect_dma source(%arg10 : memref<128x128xf32, #tpu.memory_space<vmem>>) target(%dma_start3A_85 : memref<10112x128xf32, #tpu.memory_space<vmem_shared>>) offsets(%dma_start3A_82 : memref<128xi32, #tpu.memory_space<vmem>>) semaphore(%run_scoped3A : memref<!tpu.dma_semaphore, #tpu.memory_space<semaphore_mem>>) {add = true}
          %dma_wait3A_86 = arith.constant 0 : i32
          %dma_wait3A_87 = tpu.memref_slice %arg8[%add3A_66, %dma_wait3A_86] : memref<40x128xi32, #tpu.memory_space<vmem>> -> memref<1x128xi32, #tpu.memory_space<vmem>>
          %dma_wait3A_88 = tpu.memref_squeeze %dma_wait3A_87 : memref<1x128xi32, #tpu.memory_space<vmem>> -> memref<128xi32, #tpu.memory_space<vmem>>
          %dma_wait3A_89 = arith.constant 0 : i32
          %dma_wait3A_90 = arith.constant 0 : i32
          %dma_wait3A_91 = tpu.memref_slice %arg11[%dma_wait3A_89, %dma_wait3A_90] : memref<10112x128xf32, #tpu.memory_space<vmem_shared>> -> memref<10112x128xf32, #tpu.memory_space<vmem_shared>>
          tpu.wait_indirect_dma semaphore(%run_scoped3A : memref<!tpu.dma_semaphore, #tpu.memory_space<semaphore_mem>>) src(%arg10 : memref<128x128xf32, #tpu.memory_space<vmem>>) dst(%dma_wait3A_91 : memref<10112x128xf32, #tpu.memory_space<vmem_shared>>)
          tpu.yield
        }) : () -> ()
        %add3A_73 = arith.constant 2 : i32
        %add3A_74 = arith.addi %add3A_66, %add3A_73 : i32
        %lt3A_75 = arith.constant 40 : i32
        %lt3A_76 = arith.cmpi slt, %add3A_74, %lt3A_75 : i32
        %convert_element_type3A_77 = arith.extui %lt3A_76 : i1 to i32
        %cond3A_78 = arith.constant 0 : i32
        %cond3A_79 = arith.cmpi ne, %convert_element_type3A_77, %cond3A_78 : i32
        scf.if %cond3A_79 {
          %add3A_80 = arith.constant 2 : i32
          %add3A_81 = arith.addi %add3A_66, %add3A_80 : i32
          %dma_start3A_82 = arith.constant 0 : i32
          %dma_start3A_83 = tpu.memref_slice %arg7[%add3A_81, %dma_start3A_82] : memref<40x128xi32, #tpu.memory_space<vmem>> -> memref<1x128xi32, #tpu.memory_space<vmem>>
          %dma_start3A_84 = tpu.memref_squeeze %dma_start3A_83 : memref<1x128xi32, #tpu.memory_space<vmem>> -> memref<128xi32, #tpu.memory_space<vmem>>
          %dma_start3A_85 = arith.constant 0 : i32
          %dma_start3A_86 = arith.constant 0 : i32
          %dma_start3A_87 = tpu.memref_slice %arg2[%dma_start3A_85, %dma_start3A_86] : memref<10000x128xf32, #tpu.memory_space<hbm>> -> memref<10000x128xf32, #tpu.memory_space<hbm>>
          tpu.enqueue_indirect_dma source(%dma_start3A_87 : memref<10000x128xf32, #tpu.memory_space<hbm>>) target(%arg10 : memref<128x128xf32, #tpu.memory_space<vmem>>) offsets(%dma_start3A_84 : memref<128xi32, #tpu.memory_space<vmem>>) semaphore(%arg13 : memref<!tpu.dma_semaphore, #tpu.memory_space<semaphore_mem>>)
        } else {
        }
      }
      %scan3A_48 = arith.constant 20 : i32
    }
    %barrier3A_19 = arith.constant 0 : index
    tpu.barrier barrier_id(%barrier3A_19)
    %mul3A_20 = arith.constant 632 : i32
    %mul3A_21 = arith.muli %arg1, %mul3A_20 : i32
    %mul3A_22 = arith.constant 632 : i32
    %mul3A_23 = arith.muli %arg1, %mul3A_22 : i32
    "tpu.region"() ({
      %run_scoped3A = tpu.sem_alloc : memref<!tpu.dma_semaphore, #tpu.memory_space<semaphore_mem>>
      %dma_start3A = arith.constant 0 : i32
      %dma_start3A_24 = tpu.memref_slice %arg6[%arg0, %mul3A_23, %dma_start3A] : memref<2x10112x128xf32, #tpu.memory_space<hbm>> -> memref<1x632x128xf32, #tpu.memory_space<hbm>>
      %dma_start3A_25 = tpu.memref_squeeze %dma_start3A_24 : memref<1x632x128xf32, #tpu.memory_space<hbm>> -> memref<632x128xf32, #tpu.memory_space<hbm>>
      %dma_start3A_26 = arith.constant 0 : i32
      %dma_start3A_27 = tpu.memref_slice %arg11[%mul3A_21, %dma_start3A_26] : memref<10112x128xf32, #tpu.memory_space<vmem_shared>> -> memref<632x128xf32, #tpu.memory_space<vmem_shared>>
      tpu.enqueue_dma source(%dma_start3A_27 : memref<632x128xf32, #tpu.memory_space<vmem_shared>>) target(%dma_start3A_25 : memref<632x128xf32, #tpu.memory_space<hbm>>) target_semaphore(%run_scoped3A : memref<!tpu.dma_semaphore, #tpu.memory_space<semaphore_mem>>)
      %dma_wait3A = arith.constant 0 : i32
      %dma_wait3A_28 = tpu.memref_slice %arg6[%arg0, %mul3A_23, %dma_wait3A] : memref<2x10112x128xf32, #tpu.memory_space<hbm>> -> memref<1x632x128xf32, #tpu.memory_space<hbm>>
      %dma_wait3A_29 = tpu.memref_squeeze %dma_wait3A_28 : memref<1x632x128xf32, #tpu.memory_space<hbm>> -> memref<632x128xf32, #tpu.memory_space<hbm>>
      %dma_wait3A_30 = arith.constant 0 : i32
      %dma_wait3A_31 = tpu.memref_slice %arg11[%mul3A_21, %dma_wait3A_30] : memref<10112x128xf32, #tpu.memory_space<vmem_shared>> -> memref<632x128xf32, #tpu.memory_space<vmem_shared>>
      tpu.wait_dma2 semaphore(%run_scoped3A : memref<!tpu.dma_semaphore, #tpu.memory_space<semaphore_mem>>) src(%dma_wait3A_31 : memref<632x128xf32, #tpu.memory_space<vmem_shared>>) dst(%dma_wait3A_29 : memref<632x128xf32, #tpu.memory_space<hbm>>)
      tpu.yield
    }) : () -> ()
    return
  }
}

#map = affine_map<(d0, d1) -> (0, 0)>
#map1 = affine_map<(d0, d1) -> (0, 0, 0)>
module attributes {stable_mosaic.version = 14 : i64} {
  func.func @_agg_body(%arg0: i32, %arg1: i32, %arg2: memref<10000x128xf32, #tpu.memory_space<hbm>>, %arg3: memref<2560x128xi32, #tpu.memory_space<hbm>>, %arg4: memref<2560x128xi32, #tpu.memory_space<hbm>>, %arg5: memref<10112x128xf32, #tpu.memory_space<hbm>>, %arg6: memref<2x10112x128xf32, #tpu.memory_space<hbm>>, %arg7: memref<40x128xi32, #tpu.memory_space<vmem>>, %arg8: memref<40x128xi32, #tpu.memory_space<vmem>>, %arg9: memref<128x128xf32, #tpu.memory_space<vmem>>, %arg10: memref<128x128xf32, #tpu.memory_space<vmem>>, %arg11: memref<10112x128xf32, #tpu.memory_space<vmem_shared>>, %arg12: memref<!tpu.dma_semaphore, #tpu.memory_space<semaphore_mem>>, %arg13: memref<!tpu.dma_semaphore, #tpu.memory_space<semaphore_mem>>) attributes {dimension_semantics = [#tpu.dimension_semantics<core_parallel>, #tpu.dimension_semantics<subcore_parallel>], iteration_bounds = array<i64: 2, 16>, scalar_prefetch = 0 : i64, scratch_operands = 7 : i64, tpu.core_type = #tpu.core_type<sc_vector_subcore>, window_params = [{transform_indices = #map}, {transform_indices = #map}, {transform_indices = #map}, {transform_indices = #map}, {transform_indices = #map1}]} {
    %mul3A = arith.constant 632 : i32
    %mul3A_0 = arith.muli %arg1, %mul3A : i32
    %mul3A_1 = arith.constant 632 : i32
    %mul3A_2 = arith.muli %arg1, %mul3A_1 : i32
    "tpu.region"() ({
      %run_scoped3A = tpu.sem_alloc : memref<!tpu.dma_semaphore, #tpu.memory_space<semaphore_mem>>
      %dma_start3A = arith.constant 0 : i32
      %dma_start3A_24 = tpu.memref_slice %arg11[%mul3A_2, %dma_start3A] : memref<10112x128xf32, #tpu.memory_space<vmem_shared>> -> memref<632x128xf32, #tpu.memory_space<vmem_shared>>
      %dma_start3A_25 = arith.constant 0 : i32
      %dma_start3A_26 = tpu.memref_slice %arg5[%mul3A_0, %dma_start3A_25] : memref<10112x128xf32, #tpu.memory_space<hbm>> -> memref<632x128xf32, #tpu.memory_space<hbm>>
      tpu.enqueue_dma source(%dma_start3A_26 : memref<632x128xf32, #tpu.memory_space<hbm>>) target(%dma_start3A_24 : memref<632x128xf32, #tpu.memory_space<vmem_shared>>) target_semaphore(%run_scoped3A : memref<!tpu.dma_semaphore, #tpu.memory_space<semaphore_mem>>)
      %dma_wait3A = arith.constant 0 : i32
      %dma_wait3A_27 = tpu.memref_slice %arg11[%mul3A_2, %dma_wait3A] : memref<10112x128xf32, #tpu.memory_space<vmem_shared>> -> memref<632x128xf32, #tpu.memory_space<vmem_shared>>
      %dma_wait3A_28 = arith.constant 0 : i32
      %dma_wait3A_29 = tpu.memref_slice %arg5[%mul3A_0, %dma_wait3A_28] : memref<10112x128xf32, #tpu.memory_space<hbm>> -> memref<632x128xf32, #tpu.memory_space<hbm>>
      tpu.wait_dma2 semaphore(%run_scoped3A : memref<!tpu.dma_semaphore, #tpu.memory_space<semaphore_mem>>) src(%dma_wait3A_29 : memref<632x128xf32, #tpu.memory_space<hbm>>) dst(%dma_wait3A_27 : memref<632x128xf32, #tpu.memory_space<vmem_shared>>)
      tpu.yield
    }) : () -> ()
    %barrier3A = arith.constant 0 : index
    tpu.barrier barrier_id(%barrier3A)
    %mul3A_3 = arith.constant 160 : i32
    %mul3A_4 = arith.muli %arg1, %mul3A_3 : i32
    %mul3A_5 = arith.constant 120 : i32
    %mul3A_6 = arith.muli %arg0, %mul3A_5 : i32
    %add3A = arith.addi %mul3A_4, %mul3A_6 : i32
    %eq3A = arith.constant 0 : i32
    %eq3A_7 = arith.cmpi eq, %arg0, %eq3A : i32
    %select_n3A = arith.constant 1 : i32
    %select_n3A_8 = arith.constant 3 : i32
    %select_n3A_9 = arith.select %eq3A_7, %select_n3A_8, %select_n3A : i32
    %while3A = arith.constant 0 : i32
    %while3A_10 = arith.constant 0 : i32
    %while3A_11 = arith.subi %select_n3A_9, %while3A_10 : i32
    %while3A_12 = arith.addi %while3A_10, %while3A_11 : i32
    %while3A_13 = arith.constant 1 : i32
    %while3A_14 = arith.divsi %while3A_11, %while3A_13 : i32
    %while3A_15 = arith.muli %while3A_14, %while3A_13 : i32
    %while3A_16 = arith.addi %while3A_10, %while3A_15 : i32
    %while3A_17 = arith.constant 1 : i32
    scf.for %while3A_24 = %while3A_10 to %while3A_16 step %while3A_17  : i32 {
      %mul3A_25 = arith.constant 40 : i32
      %mul3A_26 = arith.muli %while3A_24, %mul3A_25 : i32
      %add3A_27 = arith.addi %add3A, %mul3A_26 : i32
      "tpu.region"() ({
        %run_scoped3A = tpu.sem_alloc : memref<!tpu.dma_semaphore, #tpu.memory_space<semaphore_mem>>
        %dma_start3A_49 = arith.constant 0 : i32
        %dma_start3A_50 = tpu.memref_slice %arg3[%add3A_27, %dma_start3A_49] : memref<2560x128xi32, #tpu.memory_space<hbm>> -> memref<40x128xi32, #tpu.memory_space<hbm>>
        %dma_start3A_51 = arith.constant 0 : i32
        %dma_start3A_52 = tpu.memref_slice %arg3[%add3A_27, %dma_start3A_51] : memref<2560x128xi32, #tpu.memory_space<hbm>> -> memref<40x128xi32, #tpu.memory_space<hbm>>
        tpu.enqueue_dma source(%dma_start3A_52 : memref<40x128xi32, #tpu.memory_space<hbm>>) target(%arg7 : memref<40x128xi32, #tpu.memory_space<vmem>>) target_semaphore(%run_scoped3A : memref<!tpu.dma_semaphore, #tpu.memory_space<semaphore_mem>>)
        %dma_wait3A = arith.constant 0 : i32
        %dma_wait3A_53 = tpu.memref_slice %arg3[%add3A_27, %dma_wait3A] : memref<2560x128xi32, #tpu.memory_space<hbm>> -> memref<40x128xi32, #tpu.memory_space<hbm>>
        %dma_wait3A_54 = arith.constant 0 : i32
        %dma_wait3A_55 = tpu.memref_slice %arg3[%add3A_27, %dma_wait3A_54] : memref<2560x128xi32, #tpu.memory_space<hbm>> -> memref<40x128xi32, #tpu.memory_space<hbm>>
        tpu.wait_dma2 semaphore(%run_scoped3A : memref<!tpu.dma_semaphore, #tpu.memory_space<semaphore_mem>>) src(%dma_wait3A_55 : memref<40x128xi32, #tpu.memory_space<hbm>>) dst(%arg7 : memref<40x128xi32, #tpu.memory_space<vmem>>)
        tpu.yield
      }) : () -> ()
      %mul3A_28 = arith.constant 40 : i32
      %mul3A_29 = arith.muli %while3A_24, %mul3A_28 : i32
      %add3A_30 = arith.addi %add3A, %mul3A_29 : i32
      "tpu.region"() ({
        %run_scoped3A = tpu.sem_alloc : memref<!tpu.dma_semaphore, #tpu.memory_space<semaphore_mem>>
        %dma_start3A_49 = arith.constant 0 : i32
        %dma_start3A_50 = tpu.memref_slice %arg4[%add3A_30, %dma_start3A_49] : memref<2560x128xi32, #tpu.memory_space<hbm>> -> memref<40x128xi32, #tpu.memory_space<hbm>>
        %dma_start3A_51 = arith.constant 0 : i32
        %dma_start3A_52 = tpu.memref_slice %arg4[%add3A_30, %dma_start3A_51] : memref<2560x128xi32, #tpu.memory_space<hbm>> -> memref<40x128xi32, #tpu.memory_space<hbm>>
        tpu.enqueue_dma source(%dma_start3A_52 : memref<40x128xi32, #tpu.memory_space<hbm>>) target(%arg8 : memref<40x128xi32, #tpu.memory_space<vmem>>) target_semaphore(%run_scoped3A : memref<!tpu.dma_semaphore, #tpu.memory_space<semaphore_mem>>)
        %dma_wait3A = arith.constant 0 : i32
        %dma_wait3A_53 = tpu.memref_slice %arg4[%add3A_30, %dma_wait3A] : memref<2560x128xi32, #tpu.memory_space<hbm>> -> memref<40x128xi32, #tpu.memory_space<hbm>>
        %dma_wait3A_54 = arith.constant 0 : i32
        %dma_wait3A_55 = tpu.memref_slice %arg4[%add3A_30, %dma_wait3A_54] : memref<2560x128xi32, #tpu.memory_space<hbm>> -> memref<40x128xi32, #tpu.memory_space<hbm>>
        tpu.wait_dma2 semaphore(%run_scoped3A : memref<!tpu.dma_semaphore, #tpu.memory_space<semaphore_mem>>) src(%dma_wait3A_55 : memref<40x128xi32, #tpu.memory_space<hbm>>) dst(%arg8 : memref<40x128xi32, #tpu.memory_space<vmem>>)
        tpu.yield
      }) : () -> ()
      %dma_start3A = arith.constant 0 : i32
      %dma_start3A_31 = arith.constant 0 : i32
      %dma_start3A_32 = tpu.memref_slice %arg7[%dma_start3A, %dma_start3A_31] : memref<40x128xi32, #tpu.memory_space<vmem>> -> memref<1x128xi32, #tpu.memory_space<vmem>>
      %dma_start3A_33 = tpu.memref_squeeze %dma_start3A_32 : memref<1x128xi32, #tpu.memory_space<vmem>> -> memref<128xi32, #tpu.memory_space<vmem>>
      %dma_start3A_34 = arith.constant 0 : i32
      %dma_start3A_35 = arith.constant 0 : i32
      %dma_start3A_36 = tpu.memref_slice %arg2[%dma_start3A_34, %dma_start3A_35] : memref<10000x128xf32, #tpu.memory_space<hbm>> -> memref<10000x128xf32, #tpu.memory_space<hbm>>
      tpu.enqueue_indirect_dma source(%dma_start3A_36 : memref<10000x128xf32, #tpu.memory_space<hbm>>) target(%arg9 : memref<128x128xf32, #tpu.memory_space<vmem>>) offsets(%dma_start3A_33 : memref<128xi32, #tpu.memory_space<vmem>>) semaphore(%arg12 : memref<!tpu.dma_semaphore, #tpu.memory_space<semaphore_mem>>)
      %dma_start3A_37 = arith.constant 1 : i32
      %dma_start3A_38 = arith.constant 0 : i32
      %dma_start3A_39 = tpu.memref_slice %arg7[%dma_start3A_37, %dma_start3A_38] : memref<40x128xi32, #tpu.memory_space<vmem>> -> memref<1x128xi32, #tpu.memory_space<vmem>>
      %dma_start3A_40 = tpu.memref_squeeze %dma_start3A_39 : memref<1x128xi32, #tpu.memory_space<vmem>> -> memref<128xi32, #tpu.memory_space<vmem>>
      %dma_start3A_41 = arith.constant 0 : i32
      %dma_start3A_42 = arith.constant 0 : i32
      %dma_start3A_43 = tpu.memref_slice %arg2[%dma_start3A_41, %dma_start3A_42] : memref<10000x128xf32, #tpu.memory_space<hbm>> -> memref<10000x128xf32, #tpu.memory_space<hbm>>
      tpu.enqueue_indirect_dma source(%dma_start3A_43 : memref<10000x128xf32, #tpu.memory_space<hbm>>) target(%arg10 : memref<128x128xf32, #tpu.memory_space<vmem>>) offsets(%dma_start3A_40 : memref<128xi32, #tpu.memory_space<vmem>>) semaphore(%arg13 : memref<!tpu.dma_semaphore, #tpu.memory_space<semaphore_mem>>)
      %scan3A = arith.constant 0 : i32
      %scan3A_44 = arith.constant 0 : i32
      %scan3A_45 = arith.constant 20 : i32
      %scan3A_46 = arith.addi %scan3A_44, %scan3A_45 : i32
      %scan3A_47 = arith.constant 1 : i32
      scf.for %scan3A_49 = %scan3A_44 to %scan3A_46 step %scan3A_47  : i32 {
        %mul3A_50 = arith.constant 2 : i32
        %mul3A_51 = arith.muli %scan3A_49, %mul3A_50 : i32
        %add3A_52 = arith.constant 0 : i32
        %add3A_53 = arith.addi %mul3A_51, %add3A_52 : i32
        %dma_wait3A = arith.constant 0 : i32
        %dma_wait3A_54 = tpu.memref_slice %arg7[%add3A_53, %dma_wait3A] : memref<40x128xi32, #tpu.memory_space<vmem>> -> memref<1x128xi32, #tpu.memory_space<vmem>>
        %dma_wait3A_55 = tpu.memref_squeeze %dma_wait3A_54 : memref<1x128xi32, #tpu.memory_space<vmem>> -> memref<128xi32, #tpu.memory_space<vmem>>
        %dma_wait3A_56 = arith.constant 0 : i32
        %dma_wait3A_57 = arith.constant 0 : i32
        %dma_wait3A_58 = tpu.memref_slice %arg2[%dma_wait3A_56, %dma_wait3A_57] : memref<10000x128xf32, #tpu.memory_space<hbm>> -> memref<10000x128xf32, #tpu.memory_space<hbm>>
        tpu.wait_indirect_dma semaphore(%arg12 : memref<!tpu.dma_semaphore, #tpu.memory_space<semaphore_mem>>) src(%dma_wait3A_58 : memref<10000x128xf32, #tpu.memory_space<hbm>>) dst(%arg9 : memref<128x128xf32, #tpu.memory_space<vmem>>)
        "tpu.region"() ({
          %run_scoped3A = tpu.sem_alloc : memref<!tpu.dma_semaphore, #tpu.memory_space<semaphore_mem>>
          %dma_start3A_80 = arith.constant 0 : i32
          %dma_start3A_81 = tpu.memref_slice %arg8[%add3A_53, %dma_start3A_80] : memref<40x128xi32, #tpu.memory_space<vmem>> -> memref<1x128xi32, #tpu.memory_space<vmem>>
          %dma_start3A_82 = tpu.memref_squeeze %dma_start3A_81 : memref<1x128xi32, #tpu.memory_space<vmem>> -> memref<128xi32, #tpu.memory_space<vmem>>
          %dma_start3A_83 = arith.constant 0 : i32
          %dma_start3A_84 = arith.constant 0 : i32
          %dma_start3A_85 = tpu.memref_slice %arg11[%dma_start3A_83, %dma_start3A_84] : memref<10112x128xf32, #tpu.memory_space<vmem_shared>> -> memref<10112x128xf32, #tpu.memory_space<vmem_shared>>
          tpu.enqueue_indirect_dma source(%arg9 : memref<128x128xf32, #tpu.memory_space<vmem>>) target(%dma_start3A_85 : memref<10112x128xf32, #tpu.memory_space<vmem_shared>>) offsets(%dma_start3A_82 : memref<128xi32, #tpu.memory_space<vmem>>) semaphore(%run_scoped3A : memref<!tpu.dma_semaphore, #tpu.memory_space<semaphore_mem>>) {add = true}
          %dma_wait3A_86 = arith.constant 0 : i32
          %dma_wait3A_87 = tpu.memref_slice %arg8[%add3A_53, %dma_wait3A_86] : memref<40x128xi32, #tpu.memory_space<vmem>> -> memref<1x128xi32, #tpu.memory_space<vmem>>
          %dma_wait3A_88 = tpu.memref_squeeze %dma_wait3A_87 : memref<1x128xi32, #tpu.memory_space<vmem>> -> memref<128xi32, #tpu.memory_space<vmem>>
          %dma_wait3A_89 = arith.constant 0 : i32
          %dma_wait3A_90 = arith.constant 0 : i32
          %dma_wait3A_91 = tpu.memref_slice %arg11[%dma_wait3A_89, %dma_wait3A_90] : memref<10112x128xf32, #tpu.memory_space<vmem_shared>> -> memref<10112x128xf32, #tpu.memory_space<vmem_shared>>
          tpu.wait_indirect_dma semaphore(%run_scoped3A : memref<!tpu.dma_semaphore, #tpu.memory_space<semaphore_mem>>) src(%arg9 : memref<128x128xf32, #tpu.memory_space<vmem>>) dst(%dma_wait3A_91 : memref<10112x128xf32, #tpu.memory_space<vmem_shared>>)
          tpu.yield
        }) : () -> ()
        %add3A_59 = arith.constant 2 : i32
        %add3A_60 = arith.addi %add3A_53, %add3A_59 : i32
        %lt3A = arith.constant 40 : i32
        %lt3A_61 = arith.cmpi slt, %add3A_60, %lt3A : i32
        %convert_element_type3A = arith.extui %lt3A_61 : i1 to i32
        %cond3A = arith.constant 0 : i32
        %cond3A_62 = arith.cmpi ne, %convert_element_type3A, %cond3A : i32
        scf.if %cond3A_62 {
          %add3A_80 = arith.constant 2 : i32
          %add3A_81 = arith.addi %add3A_53, %add3A_80 : i32
          %dma_start3A_82 = arith.constant 0 : i32
          %dma_start3A_83 = tpu.memref_slice %arg7[%add3A_81, %dma_start3A_82] : memref<40x128xi32, #tpu.memory_space<vmem>> -> memref<1x128xi32, #tpu.memory_space<vmem>>
          %dma_start3A_84 = tpu.memref_squeeze %dma_start3A_83 : memref<1x128xi32, #tpu.memory_space<vmem>> -> memref<128xi32, #tpu.memory_space<vmem>>
          %dma_start3A_85 = arith.constant 0 : i32
          %dma_start3A_86 = arith.constant 0 : i32
          %dma_start3A_87 = tpu.memref_slice %arg2[%dma_start3A_85, %dma_start3A_86] : memref<10000x128xf32, #tpu.memory_space<hbm>> -> memref<10000x128xf32, #tpu.memory_space<hbm>>
          tpu.enqueue_indirect_dma source(%dma_start3A_87 : memref<10000x128xf32, #tpu.memory_space<hbm>>) target(%arg9 : memref<128x128xf32, #tpu.memory_space<vmem>>) offsets(%dma_start3A_84 : memref<128xi32, #tpu.memory_space<vmem>>) semaphore(%arg12 : memref<!tpu.dma_semaphore, #tpu.memory_space<semaphore_mem>>)
        } else {
        }
        %mul3A_63 = arith.constant 2 : i32
        %mul3A_64 = arith.muli %scan3A_49, %mul3A_63 : i32
        %add3A_65 = arith.constant 1 : i32
        %add3A_66 = arith.addi %mul3A_64, %add3A_65 : i32
        %dma_wait3A_67 = arith.constant 0 : i32
        %dma_wait3A_68 = tpu.memref_slice %arg7[%add3A_66, %dma_wait3A_67] : memref<40x128xi32, #tpu.memory_space<vmem>> -> memref<1x128xi32, #tpu.memory_space<vmem>>
        %dma_wait3A_69 = tpu.memref_squeeze %dma_wait3A_68 : memref<1x128xi32, #tpu.memory_space<vmem>> -> memref<128xi32, #tpu.memory_space<vmem>>
        %dma_wait3A_70 = arith.constant 0 : i32
        %dma_wait3A_71 = arith.constant 0 : i32
        %dma_wait3A_72 = tpu.memref_slice %arg2[%dma_wait3A_70, %dma_wait3A_71] : memref<10000x128xf32, #tpu.memory_space<hbm>> -> memref<10000x128xf32, #tpu.memory_space<hbm>>
        tpu.wait_indirect_dma semaphore(%arg13 : memref<!tpu.dma_semaphore, #tpu.memory_space<semaphore_mem>>) src(%dma_wait3A_72 : memref<10000x128xf32, #tpu.memory_space<hbm>>) dst(%arg10 : memref<128x128xf32, #tpu.memory_space<vmem>>)
        "tpu.region"() ({
          %run_scoped3A = tpu.sem_alloc : memref<!tpu.dma_semaphore, #tpu.memory_space<semaphore_mem>>
          %dma_start3A_80 = arith.constant 0 : i32
          %dma_start3A_81 = tpu.memref_slice %arg8[%add3A_66, %dma_start3A_80] : memref<40x128xi32, #tpu.memory_space<vmem>> -> memref<1x128xi32, #tpu.memory_space<vmem>>
          %dma_start3A_82 = tpu.memref_squeeze %dma_start3A_81 : memref<1x128xi32, #tpu.memory_space<vmem>> -> memref<128xi32, #tpu.memory_space<vmem>>
          %dma_start3A_83 = arith.constant 0 : i32
          %dma_start3A_84 = arith.constant 0 : i32
          %dma_start3A_85 = tpu.memref_slice %arg11[%dma_start3A_83, %dma_start3A_84] : memref<10112x128xf32, #tpu.memory_space<vmem_shared>> -> memref<10112x128xf32, #tpu.memory_space<vmem_shared>>
          tpu.enqueue_indirect_dma source(%arg10 : memref<128x128xf32, #tpu.memory_space<vmem>>) target(%dma_start3A_85 : memref<10112x128xf32, #tpu.memory_space<vmem_shared>>) offsets(%dma_start3A_82 : memref<128xi32, #tpu.memory_space<vmem>>) semaphore(%run_scoped3A : memref<!tpu.dma_semaphore, #tpu.memory_space<semaphore_mem>>) {add = true}
          %dma_wait3A_86 = arith.constant 0 : i32
          %dma_wait3A_87 = tpu.memref_slice %arg8[%add3A_66, %dma_wait3A_86] : memref<40x128xi32, #tpu.memory_space<vmem>> -> memref<1x128xi32, #tpu.memory_space<vmem>>
          %dma_wait3A_88 = tpu.memref_squeeze %dma_wait3A_87 : memref<1x128xi32, #tpu.memory_space<vmem>> -> memref<128xi32, #tpu.memory_space<vmem>>
          %dma_wait3A_89 = arith.constant 0 : i32
          %dma_wait3A_90 = arith.constant 0 : i32
          %dma_wait3A_91 = tpu.memref_slice %arg11[%dma_wait3A_89, %dma_wait3A_90] : memref<10112x128xf32, #tpu.memory_space<vmem_shared>> -> memref<10112x128xf32, #tpu.memory_space<vmem_shared>>
          tpu.wait_indirect_dma semaphore(%run_scoped3A : memref<!tpu.dma_semaphore, #tpu.memory_space<semaphore_mem>>) src(%arg10 : memref<128x128xf32, #tpu.memory_space<vmem>>) dst(%dma_wait3A_91 : memref<10112x128xf32, #tpu.memory_space<vmem_shared>>)
          tpu.yield
        }) : () -> ()
        %add3A_73 = arith.constant 2 : i32
        %add3A_74 = arith.addi %add3A_66, %add3A_73 : i32
        %lt3A_75 = arith.constant 40 : i32
        %lt3A_76 = arith.cmpi slt, %add3A_74, %lt3A_75 : i32
        %convert_element_type3A_77 = arith.extui %lt3A_76 : i1 to i32
        %cond3A_78 = arith.constant 0 : i32
        %cond3A_79 = arith.cmpi ne, %convert_element_type3A_77, %cond3A_78 : i32
        scf.if %cond3A_79 {
          %add3A_80 = arith.constant 2 : i32
          %add3A_81 = arith.addi %add3A_66, %add3A_80 : i32
          %dma_start3A_82 = arith.constant 0 : i32
          %dma_start3A_83 = tpu.memref_slice %arg7[%add3A_81, %dma_start3A_82] : memref<40x128xi32, #tpu.memory_space<vmem>> -> memref<1x128xi32, #tpu.memory_space<vmem>>
          %dma_start3A_84 = tpu.memref_squeeze %dma_start3A_83 : memref<1x128xi32, #tpu.memory_space<vmem>> -> memref<128xi32, #tpu.memory_space<vmem>>
          %dma_start3A_85 = arith.constant 0 : i32
          %dma_start3A_86 = arith.constant 0 : i32
          %dma_start3A_87 = tpu.memref_slice %arg2[%dma_start3A_85, %dma_start3A_86] : memref<10000x128xf32, #tpu.memory_space<hbm>> -> memref<10000x128xf32, #tpu.memory_space<hbm>>
          tpu.enqueue_indirect_dma source(%dma_start3A_87 : memref<10000x128xf32, #tpu.memory_space<hbm>>) target(%arg10 : memref<128x128xf32, #tpu.memory_space<vmem>>) offsets(%dma_start3A_84 : memref<128xi32, #tpu.memory_space<vmem>>) semaphore(%arg13 : memref<!tpu.dma_semaphore, #tpu.memory_space<semaphore_mem>>)
        } else {
        }
      }
      %scan3A_48 = arith.constant 20 : i32
    }
    %while3A_18 = arith.constant 1 : i32
    scf.for %while3A_24 = %while3A_16 to %while3A_12 step %while3A_18  : i32 {
      %mul3A_25 = arith.constant 40 : i32
      %mul3A_26 = arith.muli %while3A_24, %mul3A_25 : i32
      %add3A_27 = arith.addi %add3A, %mul3A_26 : i32
      "tpu.region"() ({
        %run_scoped3A = tpu.sem_alloc : memref<!tpu.dma_semaphore, #tpu.memory_space<semaphore_mem>>
        %dma_start3A_49 = arith.constant 0 : i32
        %dma_start3A_50 = tpu.memref_slice %arg3[%add3A_27, %dma_start3A_49] : memref<2560x128xi32, #tpu.memory_space<hbm>> -> memref<40x128xi32, #tpu.memory_space<hbm>>
        %dma_start3A_51 = arith.constant 0 : i32
        %dma_start3A_52 = tpu.memref_slice %arg3[%add3A_27, %dma_start3A_51] : memref<2560x128xi32, #tpu.memory_space<hbm>> -> memref<40x128xi32, #tpu.memory_space<hbm>>
        tpu.enqueue_dma source(%dma_start3A_52 : memref<40x128xi32, #tpu.memory_space<hbm>>) target(%arg7 : memref<40x128xi32, #tpu.memory_space<vmem>>) target_semaphore(%run_scoped3A : memref<!tpu.dma_semaphore, #tpu.memory_space<semaphore_mem>>)
        %dma_wait3A = arith.constant 0 : i32
        %dma_wait3A_53 = tpu.memref_slice %arg3[%add3A_27, %dma_wait3A] : memref<2560x128xi32, #tpu.memory_space<hbm>> -> memref<40x128xi32, #tpu.memory_space<hbm>>
        %dma_wait3A_54 = arith.constant 0 : i32
        %dma_wait3A_55 = tpu.memref_slice %arg3[%add3A_27, %dma_wait3A_54] : memref<2560x128xi32, #tpu.memory_space<hbm>> -> memref<40x128xi32, #tpu.memory_space<hbm>>
        tpu.wait_dma2 semaphore(%run_scoped3A : memref<!tpu.dma_semaphore, #tpu.memory_space<semaphore_mem>>) src(%dma_wait3A_55 : memref<40x128xi32, #tpu.memory_space<hbm>>) dst(%arg7 : memref<40x128xi32, #tpu.memory_space<vmem>>)
        tpu.yield
      }) : () -> ()
      %mul3A_28 = arith.constant 40 : i32
      %mul3A_29 = arith.muli %while3A_24, %mul3A_28 : i32
      %add3A_30 = arith.addi %add3A, %mul3A_29 : i32
      "tpu.region"() ({
        %run_scoped3A = tpu.sem_alloc : memref<!tpu.dma_semaphore, #tpu.memory_space<semaphore_mem>>
        %dma_start3A_49 = arith.constant 0 : i32
        %dma_start3A_50 = tpu.memref_slice %arg4[%add3A_30, %dma_start3A_49] : memref<2560x128xi32, #tpu.memory_space<hbm>> -> memref<40x128xi32, #tpu.memory_space<hbm>>
        %dma_start3A_51 = arith.constant 0 : i32
        %dma_start3A_52 = tpu.memref_slice %arg4[%add3A_30, %dma_start3A_51] : memref<2560x128xi32, #tpu.memory_space<hbm>> -> memref<40x128xi32, #tpu.memory_space<hbm>>
        tpu.enqueue_dma source(%dma_start3A_52 : memref<40x128xi32, #tpu.memory_space<hbm>>) target(%arg8 : memref<40x128xi32, #tpu.memory_space<vmem>>) target_semaphore(%run_scoped3A : memref<!tpu.dma_semaphore, #tpu.memory_space<semaphore_mem>>)
        %dma_wait3A = arith.constant 0 : i32
        %dma_wait3A_53 = tpu.memref_slice %arg4[%add3A_30, %dma_wait3A] : memref<2560x128xi32, #tpu.memory_space<hbm>> -> memref<40x128xi32, #tpu.memory_space<hbm>>
        %dma_wait3A_54 = arith.constant 0 : i32
        %dma_wait3A_55 = tpu.memref_slice %arg4[%add3A_30, %dma_wait3A_54] : memref<2560x128xi32, #tpu.memory_space<hbm>> -> memref<40x128xi32, #tpu.memory_space<hbm>>
        tpu.wait_dma2 semaphore(%run_scoped3A : memref<!tpu.dma_semaphore, #tpu.memory_space<semaphore_mem>>) src(%dma_wait3A_55 : memref<40x128xi32, #tpu.memory_space<hbm>>) dst(%arg8 : memref<40x128xi32, #tpu.memory_space<vmem>>)
        tpu.yield
      }) : () -> ()
      %dma_start3A = arith.constant 0 : i32
      %dma_start3A_31 = arith.constant 0 : i32
      %dma_start3A_32 = tpu.memref_slice %arg7[%dma_start3A, %dma_start3A_31] : memref<40x128xi32, #tpu.memory_space<vmem>> -> memref<1x128xi32, #tpu.memory_space<vmem>>
      %dma_start3A_33 = tpu.memref_squeeze %dma_start3A_32 : memref<1x128xi32, #tpu.memory_space<vmem>> -> memref<128xi32, #tpu.memory_space<vmem>>
      %dma_start3A_34 = arith.constant 0 : i32
      %dma_start3A_35 = arith.constant 0 : i32
      %dma_start3A_36 = tpu.memref_slice %arg2[%dma_start3A_34, %dma_start3A_35] : memref<10000x128xf32, #tpu.memory_space<hbm>> -> memref<10000x128xf32, #tpu.memory_space<hbm>>
      tpu.enqueue_indirect_dma source(%dma_start3A_36 : memref<10000x128xf32, #tpu.memory_space<hbm>>) target(%arg9 : memref<128x128xf32, #tpu.memory_space<vmem>>) offsets(%dma_start3A_33 : memref<128xi32, #tpu.memory_space<vmem>>) semaphore(%arg12 : memref<!tpu.dma_semaphore, #tpu.memory_space<semaphore_mem>>)
      %dma_start3A_37 = arith.constant 1 : i32
      %dma_start3A_38 = arith.constant 0 : i32
      %dma_start3A_39 = tpu.memref_slice %arg7[%dma_start3A_37, %dma_start3A_38] : memref<40x128xi32, #tpu.memory_space<vmem>> -> memref<1x128xi32, #tpu.memory_space<vmem>>
      %dma_start3A_40 = tpu.memref_squeeze %dma_start3A_39 : memref<1x128xi32, #tpu.memory_space<vmem>> -> memref<128xi32, #tpu.memory_space<vmem>>
      %dma_start3A_41 = arith.constant 0 : i32
      %dma_start3A_42 = arith.constant 0 : i32
      %dma_start3A_43 = tpu.memref_slice %arg2[%dma_start3A_41, %dma_start3A_42] : memref<10000x128xf32, #tpu.memory_space<hbm>> -> memref<10000x128xf32, #tpu.memory_space<hbm>>
      tpu.enqueue_indirect_dma source(%dma_start3A_43 : memref<10000x128xf32, #tpu.memory_space<hbm>>) target(%arg10 : memref<128x128xf32, #tpu.memory_space<vmem>>) offsets(%dma_start3A_40 : memref<128xi32, #tpu.memory_space<vmem>>) semaphore(%arg13 : memref<!tpu.dma_semaphore, #tpu.memory_space<semaphore_mem>>)
      %scan3A = arith.constant 0 : i32
      %scan3A_44 = arith.constant 0 : i32
      %scan3A_45 = arith.constant 20 : i32
      %scan3A_46 = arith.addi %scan3A_44, %scan3A_45 : i32
      %scan3A_47 = arith.constant 1 : i32
      scf.for %scan3A_49 = %scan3A_44 to %scan3A_46 step %scan3A_47  : i32 {
        %mul3A_50 = arith.constant 2 : i32
        %mul3A_51 = arith.muli %scan3A_49, %mul3A_50 : i32
        %add3A_52 = arith.constant 0 : i32
        %add3A_53 = arith.addi %mul3A_51, %add3A_52 : i32
        %dma_wait3A = arith.constant 0 : i32
        %dma_wait3A_54 = tpu.memref_slice %arg7[%add3A_53, %dma_wait3A] : memref<40x128xi32, #tpu.memory_space<vmem>> -> memref<1x128xi32, #tpu.memory_space<vmem>>
        %dma_wait3A_55 = tpu.memref_squeeze %dma_wait3A_54 : memref<1x128xi32, #tpu.memory_space<vmem>> -> memref<128xi32, #tpu.memory_space<vmem>>
        %dma_wait3A_56 = arith.constant 0 : i32
        %dma_wait3A_57 = arith.constant 0 : i32
        %dma_wait3A_58 = tpu.memref_slice %arg2[%dma_wait3A_56, %dma_wait3A_57] : memref<10000x128xf32, #tpu.memory_space<hbm>> -> memref<10000x128xf32, #tpu.memory_space<hbm>>
        tpu.wait_indirect_dma semaphore(%arg12 : memref<!tpu.dma_semaphore, #tpu.memory_space<semaphore_mem>>) src(%dma_wait3A_58 : memref<10000x128xf32, #tpu.memory_space<hbm>>) dst(%arg9 : memref<128x128xf32, #tpu.memory_space<vmem>>)
        "tpu.region"() ({
          %run_scoped3A = tpu.sem_alloc : memref<!tpu.dma_semaphore, #tpu.memory_space<semaphore_mem>>
          %dma_start3A_80 = arith.constant 0 : i32
          %dma_start3A_81 = tpu.memref_slice %arg8[%add3A_53, %dma_start3A_80] : memref<40x128xi32, #tpu.memory_space<vmem>> -> memref<1x128xi32, #tpu.memory_space<vmem>>
          %dma_start3A_82 = tpu.memref_squeeze %dma_start3A_81 : memref<1x128xi32, #tpu.memory_space<vmem>> -> memref<128xi32, #tpu.memory_space<vmem>>
          %dma_start3A_83 = arith.constant 0 : i32
          %dma_start3A_84 = arith.constant 0 : i32
          %dma_start3A_85 = tpu.memref_slice %arg11[%dma_start3A_83, %dma_start3A_84] : memref<10112x128xf32, #tpu.memory_space<vmem_shared>> -> memref<10112x128xf32, #tpu.memory_space<vmem_shared>>
          tpu.enqueue_indirect_dma source(%arg9 : memref<128x128xf32, #tpu.memory_space<vmem>>) target(%dma_start3A_85 : memref<10112x128xf32, #tpu.memory_space<vmem_shared>>) offsets(%dma_start3A_82 : memref<128xi32, #tpu.memory_space<vmem>>) semaphore(%run_scoped3A : memref<!tpu.dma_semaphore, #tpu.memory_space<semaphore_mem>>) {add = true}
          %dma_wait3A_86 = arith.constant 0 : i32
          %dma_wait3A_87 = tpu.memref_slice %arg8[%add3A_53, %dma_wait3A_86] : memref<40x128xi32, #tpu.memory_space<vmem>> -> memref<1x128xi32, #tpu.memory_space<vmem>>
          %dma_wait3A_88 = tpu.memref_squeeze %dma_wait3A_87 : memref<1x128xi32, #tpu.memory_space<vmem>> -> memref<128xi32, #tpu.memory_space<vmem>>
          %dma_wait3A_89 = arith.constant 0 : i32
          %dma_wait3A_90 = arith.constant 0 : i32
          %dma_wait3A_91 = tpu.memref_slice %arg11[%dma_wait3A_89, %dma_wait3A_90] : memref<10112x128xf32, #tpu.memory_space<vmem_shared>> -> memref<10112x128xf32, #tpu.memory_space<vmem_shared>>
          tpu.wait_indirect_dma semaphore(%run_scoped3A : memref<!tpu.dma_semaphore, #tpu.memory_space<semaphore_mem>>) src(%arg9 : memref<128x128xf32, #tpu.memory_space<vmem>>) dst(%dma_wait3A_91 : memref<10112x128xf32, #tpu.memory_space<vmem_shared>>)
          tpu.yield
        }) : () -> ()
        %add3A_59 = arith.constant 2 : i32
        %add3A_60 = arith.addi %add3A_53, %add3A_59 : i32
        %lt3A = arith.constant 40 : i32
        %lt3A_61 = arith.cmpi slt, %add3A_60, %lt3A : i32
        %convert_element_type3A = arith.extui %lt3A_61 : i1 to i32
        %cond3A = arith.constant 0 : i32
        %cond3A_62 = arith.cmpi ne, %convert_element_type3A, %cond3A : i32
        scf.if %cond3A_62 {
          %add3A_80 = arith.constant 2 : i32
          %add3A_81 = arith.addi %add3A_53, %add3A_80 : i32
          %dma_start3A_82 = arith.constant 0 : i32
          %dma_start3A_83 = tpu.memref_slice %arg7[%add3A_81, %dma_start3A_82] : memref<40x128xi32, #tpu.memory_space<vmem>> -> memref<1x128xi32, #tpu.memory_space<vmem>>
          %dma_start3A_84 = tpu.memref_squeeze %dma_start3A_83 : memref<1x128xi32, #tpu.memory_space<vmem>> -> memref<128xi32, #tpu.memory_space<vmem>>
          %dma_start3A_85 = arith.constant 0 : i32
          %dma_start3A_86 = arith.constant 0 : i32
          %dma_start3A_87 = tpu.memref_slice %arg2[%dma_start3A_85, %dma_start3A_86] : memref<10000x128xf32, #tpu.memory_space<hbm>> -> memref<10000x128xf32, #tpu.memory_space<hbm>>
          tpu.enqueue_indirect_dma source(%dma_start3A_87 : memref<10000x128xf32, #tpu.memory_space<hbm>>) target(%arg9 : memref<128x128xf32, #tpu.memory_space<vmem>>) offsets(%dma_start3A_84 : memref<128xi32, #tpu.memory_space<vmem>>) semaphore(%arg12 : memref<!tpu.dma_semaphore, #tpu.memory_space<semaphore_mem>>)
        } else {
        }
        %mul3A_63 = arith.constant 2 : i32
        %mul3A_64 = arith.muli %scan3A_49, %mul3A_63 : i32
        %add3A_65 = arith.constant 1 : i32
        %add3A_66 = arith.addi %mul3A_64, %add3A_65 : i32
        %dma_wait3A_67 = arith.constant 0 : i32
        %dma_wait3A_68 = tpu.memref_slice %arg7[%add3A_66, %dma_wait3A_67] : memref<40x128xi32, #tpu.memory_space<vmem>> -> memref<1x128xi32, #tpu.memory_space<vmem>>
        %dma_wait3A_69 = tpu.memref_squeeze %dma_wait3A_68 : memref<1x128xi32, #tpu.memory_space<vmem>> -> memref<128xi32, #tpu.memory_space<vmem>>
        %dma_wait3A_70 = arith.constant 0 : i32
        %dma_wait3A_71 = arith.constant 0 : i32
        %dma_wait3A_72 = tpu.memref_slice %arg2[%dma_wait3A_70, %dma_wait3A_71] : memref<10000x128xf32, #tpu.memory_space<hbm>> -> memref<10000x128xf32, #tpu.memory_space<hbm>>
        tpu.wait_indirect_dma semaphore(%arg13 : memref<!tpu.dma_semaphore, #tpu.memory_space<semaphore_mem>>) src(%dma_wait3A_72 : memref<10000x128xf32, #tpu.memory_space<hbm>>) dst(%arg10 : memref<128x128xf32, #tpu.memory_space<vmem>>)
        "tpu.region"() ({
          %run_scoped3A = tpu.sem_alloc : memref<!tpu.dma_semaphore, #tpu.memory_space<semaphore_mem>>
          %dma_start3A_80 = arith.constant 0 : i32
          %dma_start3A_81 = tpu.memref_slice %arg8[%add3A_66, %dma_start3A_80] : memref<40x128xi32, #tpu.memory_space<vmem>> -> memref<1x128xi32, #tpu.memory_space<vmem>>
          %dma_start3A_82 = tpu.memref_squeeze %dma_start3A_81 : memref<1x128xi32, #tpu.memory_space<vmem>> -> memref<128xi32, #tpu.memory_space<vmem>>
          %dma_start3A_83 = arith.constant 0 : i32
          %dma_start3A_84 = arith.constant 0 : i32
          %dma_start3A_85 = tpu.memref_slice %arg11[%dma_start3A_83, %dma_start3A_84] : memref<10112x128xf32, #tpu.memory_space<vmem_shared>> -> memref<10112x128xf32, #tpu.memory_space<vmem_shared>>
          tpu.enqueue_indirect_dma source(%arg10 : memref<128x128xf32, #tpu.memory_space<vmem>>) target(%dma_start3A_85 : memref<10112x128xf32, #tpu.memory_space<vmem_shared>>) offsets(%dma_start3A_82 : memref<128xi32, #tpu.memory_space<vmem>>) semaphore(%run_scoped3A : memref<!tpu.dma_semaphore, #tpu.memory_space<semaphore_mem>>) {add = true}
          %dma_wait3A_86 = arith.constant 0 : i32
          %dma_wait3A_87 = tpu.memref_slice %arg8[%add3A_66, %dma_wait3A_86] : memref<40x128xi32, #tpu.memory_space<vmem>> -> memref<1x128xi32, #tpu.memory_space<vmem>>
          %dma_wait3A_88 = tpu.memref_squeeze %dma_wait3A_87 : memref<1x128xi32, #tpu.memory_space<vmem>> -> memref<128xi32, #tpu.memory_space<vmem>>
          %dma_wait3A_89 = arith.constant 0 : i32
          %dma_wait3A_90 = arith.constant 0 : i32
          %dma_wait3A_91 = tpu.memref_slice %arg11[%dma_wait3A_89, %dma_wait3A_90] : memref<10112x128xf32, #tpu.memory_space<vmem_shared>> -> memref<10112x128xf32, #tpu.memory_space<vmem_shared>>
          tpu.wait_indirect_dma semaphore(%run_scoped3A : memref<!tpu.dma_semaphore, #tpu.memory_space<semaphore_mem>>) src(%arg10 : memref<128x128xf32, #tpu.memory_space<vmem>>) dst(%dma_wait3A_91 : memref<10112x128xf32, #tpu.memory_space<vmem_shared>>)
          tpu.yield
        }) : () -> ()
        %add3A_73 = arith.constant 2 : i32
        %add3A_74 = arith.addi %add3A_66, %add3A_73 : i32
        %lt3A_75 = arith.constant 40 : i32
        %lt3A_76 = arith.cmpi slt, %add3A_74, %lt3A_75 : i32
        %convert_element_type3A_77 = arith.extui %lt3A_76 : i1 to i32
        %cond3A_78 = arith.constant 0 : i32
        %cond3A_79 = arith.cmpi ne, %convert_element_type3A_77, %cond3A_78 : i32
        scf.if %cond3A_79 {
          %add3A_80 = arith.constant 2 : i32
          %add3A_81 = arith.addi %add3A_66, %add3A_80 : i32
          %dma_start3A_82 = arith.constant 0 : i32
          %dma_start3A_83 = tpu.memref_slice %arg7[%add3A_81, %dma_start3A_82] : memref<40x128xi32, #tpu.memory_space<vmem>> -> memref<1x128xi32, #tpu.memory_space<vmem>>
          %dma_start3A_84 = tpu.memref_squeeze %dma_start3A_83 : memref<1x128xi32, #tpu.memory_space<vmem>> -> memref<128xi32, #tpu.memory_space<vmem>>
          %dma_start3A_85 = arith.constant 0 : i32
          %dma_start3A_86 = arith.constant 0 : i32
          %dma_start3A_87 = tpu.memref_slice %arg2[%dma_start3A_85, %dma_start3A_86] : memref<10000x128xf32, #tpu.memory_space<hbm>> -> memref<10000x128xf32, #tpu.memory_space<hbm>>
          tpu.enqueue_indirect_dma source(%dma_start3A_87 : memref<10000x128xf32, #tpu.memory_space<hbm>>) target(%arg10 : memref<128x128xf32, #tpu.memory_space<vmem>>) offsets(%dma_start3A_84 : memref<128xi32, #tpu.memory_space<vmem>>) semaphore(%arg13 : memref<!tpu.dma_semaphore, #tpu.memory_space<semaphore_mem>>)
        } else {
        }
      }
      %scan3A_48 = arith.constant 20 : i32
    }
    %barrier3A_19 = arith.constant 0 : index
    tpu.barrier barrier_id(%barrier3A_19)
    %mul3A_20 = arith.constant 632 : i32
    %mul3A_21 = arith.muli %arg1, %mul3A_20 : i32
    %mul3A_22 = arith.constant 632 : i32
    %mul3A_23 = arith.muli %arg1, %mul3A_22 : i32
    "tpu.region"() ({
      %run_scoped3A = tpu.sem_alloc : memref<!tpu.dma_semaphore, #tpu.memory_space<semaphore_mem>>
      %dma_start3A = arith.constant 0 : i32
      %dma_start3A_24 = tpu.memref_slice %arg6[%arg0, %mul3A_23, %dma_start3A] : memref<2x10112x128xf32, #tpu.memory_space<hbm>> -> memref<1x632x128xf32, #tpu.memory_space<hbm>>
      %dma_start3A_25 = tpu.memref_squeeze %dma_start3A_24 : memref<1x632x128xf32, #tpu.memory_space<hbm>> -> memref<632x128xf32, #tpu.memory_space<hbm>>
      %dma_start3A_26 = arith.constant 0 : i32
      %dma_start3A_27 = tpu.memref_slice %arg11[%mul3A_21, %dma_start3A_26] : memref<10112x128xf32, #tpu.memory_space<vmem_shared>> -> memref<632x128xf32, #tpu.memory_space<vmem_shared>>
      tpu.enqueue_dma source(%dma_start3A_27 : memref<632x128xf32, #tpu.memory_space<vmem_shared>>) target(%dma_start3A_25 : memref<632x128xf32, #tpu.memory_space<hbm>>) target_semaphore(%run_scoped3A : memref<!tpu.dma_semaphore, #tpu.memory_space<semaphore_mem>>)
      %dma_wait3A = arith.constant 0 : i32
      %dma_wait3A_28 = tpu.memref_slice %arg6[%arg0, %mul3A_23, %dma_wait3A] : memref<2x10112x128xf32, #tpu.memory_space<hbm>> -> memref<1x632x128xf32, #tpu.memory_space<hbm>>
      %dma_wait3A_29 = tpu.memref_squeeze %dma_wait3A_28 : memref<1x632x128xf32, #tpu.memory_space<hbm>> -> memref<632x128xf32, #tpu.memory_space<hbm>>
      %dma_wait3A_30 = arith.constant 0 : i32
      %dma_wait3A_31 = tpu.memref_slice %arg11[%mul3A_21, %dma_wait3A_30] : memref<10112x128xf32, #tpu.memory_space<vmem_shared>> -> memref<632x128xf32, #tpu.memory_space<vmem_shared>>
      tpu.wait_dma2 semaphore(%run_scoped3A : memref<!tpu.dma_semaphore, #tpu.memory_space<semaphore_mem>>) src(%dma_wait3A_31 : memref<632x128xf32, #tpu.memory_space<vmem_shared>>) dst(%dma_wait3A_29 : memref<632x128xf32, #tpu.memory_space<hbm>>)
      tpu.yield
    }) : () -> ()
    return
  }
}

module attributes {stable_mosaic.version = 14 : i64} {
  func.func @_tcmm_body(%arg0: i32, %arg1: memref<2000x128xf32, #tpu.memory_space<vmem>>, %arg2: memref<128x128xf32, #tpu.memory_space<vmem>>, %arg3: memref<2000x128xf32, #tpu.memory_space<vmem>>) attributes {dimension_semantics = [#tpu.dimension_semantics<arbitrary>], iteration_bounds = array<i64: 5>, scalar_prefetch = 0 : i64, scratch_operands = 0 : i64, tpu.core_type = #tpu.core_type<tc>, window_params = [{transform_indices = @transform_0, window_bounds = array<i64: 2000, 128>}, {pipeline_mode = #tpu.pipeline_mode<synchronous>, transform_indices = @transform_1, window_bounds = array<i64: 128, 128>}, {transform_indices = @transform_2, window_bounds = array<i64: 2000, 128>}]} {
    %get3A = arith.constant 0 : index
    %get3A_0 = arith.constant 0 : index
    %get3A_1 = vector.load %arg1[%get3A, %get3A_0] : memref<2000x128xf32, #tpu.memory_space<vmem>>, vector<2000x128xf32>
    %get3A_2 = arith.constant 0 : index
    %get3A_3 = arith.constant 0 : index
    %get3A_4 = vector.load %arg2[%get3A_2, %get3A_3] : memref<128x128xf32, #tpu.memory_space<vmem>>, vector<128x128xf32>
    %dot_general3A = arith.constant dense<0.000000e+00> : vector<2000x128xf32>
    %dot_general3A_5 = tpu.matmul %get3A_1, %get3A_4, %dot_general3A {dimension_numbers = #tpu.dot_dimension_numbers<[1], [0], [0], [1], [0, 0, 1, 1], [], []>, precision = #tpu.contract_precision<fp32>, transpose_lhs_hint = false} : vector<2000x128xf32>, vector<128x128xf32>, vector<2000x128xf32> -> vector<2000x128xf32>
    %swap3A = arith.constant 0 : index
    %swap3A_6 = arith.constant 0 : index
    %swap3A_7 = vector.load %arg3[%swap3A, %swap3A_6] : memref<2000x128xf32, #tpu.memory_space<vmem>>, vector<2000x128xf32>
    tpu.vector_store %arg3[%swap3A, %swap3A_6], %dot_general3A_5 {strides = array<i32>} : memref<2000x128xf32, #tpu.memory_space<vmem>>, vector<2000x128xf32>,
    return
  }
  func.func @transform_0(%arg0: i32) -> (i32, i32) {
    %c0_i32 = arith.constant 0 : i32
    %c0_i32_0 = arith.constant 0 : i32
    return %arg0, %c0_i32 : i32, i32
  }
  func.func @transform_1(%arg0: i32) -> (i32, i32) {
    %c0_i32 = arith.constant 0 : i32
    %c0_i32_0 = arith.constant 0 : i32
    %c0_i32_1 = arith.constant 0 : i32
    return %c0_i32, %c0_i32_0 : i32, i32
  }
  func.func @transform_2(%arg0: i32) -> (i32, i32) {
    %c0_i32 = arith.constant 0 : i32
    %c0_i32_0 = arith.constant 0 : i32
    return %arg0, %c0_i32 : i32, i32
  }
}

module attributes {stable_mosaic.version = 14 : i64} {
  func.func @_tca_body(%arg0: i32, %arg1: memref<2000x128xf32, #tpu.memory_space<vmem>>, %arg2: memref<2000x16xf32, #tpu.memory_space<vmem>>, %arg3: memref<2000x16xf32, #tpu.memory_space<vmem>>, %arg4: memref<2000x128xf32, #tpu.memory_space<vmem>>, %arg5: memref<2000x16xf32, #tpu.memory_space<vmem>>) attributes {dimension_semantics = [#tpu.dimension_semantics<arbitrary>], iteration_bounds = array<i64: 5>, scalar_prefetch = 0 : i64, scratch_operands = 0 : i64, tpu.core_type = #tpu.core_type<tc>, window_params = [{transform_indices = @transform_0, window_bounds = array<i64: 2000, 128>}, {transform_indices = @transform_1, window_bounds = array<i64: 2000, 16>}, {transform_indices = @transform_2, window_bounds = array<i64: 2000, 16>}, {transform_indices = @transform_3, window_bounds = array<i64: 2000, 128>}, {transform_indices = @transform_4, window_bounds = array<i64: 2000, 16>}]} {
    %get3A = arith.constant 0 : index
    %get3A_0 = arith.constant 0 : index
    %get3A_1 = vector.load %arg2[%get3A, %get3A_0] : memref<2000x16xf32, #tpu.memory_space<vmem>>, vector<2000x1xf32>
    %get3A_2 = arith.constant 0 : index
    %get3A_3 = arith.constant 0 : index
    %get3A_4 = vector.load %arg3[%get3A_2, %get3A_3] : memref<2000x16xf32, #tpu.memory_space<vmem>>, vector<2000x1xf32>
    %add3A = arith.addf %get3A_1, %get3A_4 : vector<2000x1xf32>
    %add3A_5 = arith.constant 1.000000e+00 : f32
    %add3A_6 = vector.broadcast %add3A_5 : f32 to vector<2000x1xf32>
    %add3A_7 = arith.addf %add3A, %add3A_6 : vector<2000x1xf32>
    %rsqrt3A = math.rsqrt %add3A_7 : vector<2000x1xf32>
    %get3A_8 = arith.constant 0 : index
    %get3A_9 = arith.constant 0 : index
    %get3A_10 = vector.load %arg1[%get3A_8, %get3A_9] : memref<2000x128xf32, #tpu.memory_space<vmem>>, vector<2000x128xf32>
    %mul3A = vector.broadcast %rsqrt3A : vector<2000x1xf32> to vector<2000x128xf32>
    %mul3A_11 = arith.mulf %get3A_10, %mul3A : vector<2000x128xf32>
    %swap3A = arith.constant 0 : index
    %swap3A_12 = arith.constant 0 : index
    %swap3A_13 = vector.load %arg4[%swap3A, %swap3A_12] : memref<2000x128xf32, #tpu.memory_space<vmem>>, vector<2000x128xf32>
    tpu.vector_store %arg4[%swap3A, %swap3A_12], %mul3A_11 {strides = array<i32>} : memref<2000x128xf32, #tpu.memory_space<vmem>>, vector<2000x128xf32>,
    %broadcast_in_dim3A = vector.shape_cast %rsqrt3A : vector<2000x1xf32> to vector<2000x1xf32>
    %broadcast_in_dim3A_14 = vector.broadcast %broadcast_in_dim3A : vector<2000x1xf32> to vector<2000x16xf32>
    %swap3A_15 = arith.constant 0 : index
    %swap3A_16 = arith.constant 0 : index
    %swap3A_17 = vector.load %arg5[%swap3A_15, %swap3A_16] : memref<2000x16xf32, #tpu.memory_space<vmem>>, vector<2000x16xf32>
    tpu.vector_store %arg5[%swap3A_15, %swap3A_16], %broadcast_in_dim3A_14 {strides = array<i32>} : memref<2000x16xf32, #tpu.memory_space<vmem>>, vector<2000x16xf32>,
    return
  }
  func.func @transform_0(%arg0: i32) -> (i32, i32) {
    %c0_i32 = arith.constant 0 : i32
    %c0_i32_0 = arith.constant 0 : i32
    return %arg0, %c0_i32 : i32, i32
  }
  func.func @transform_1(%arg0: i32) -> (i32, i32) {
    %c0_i32 = arith.constant 0 : i32
    %c0_i32_0 = arith.constant 0 : i32
    return %arg0, %c0_i32 : i32, i32
  }
  func.func @transform_2(%arg0: i32) -> (i32, i32) {
    %c0_i32 = arith.constant 0 : i32
    %c0_i32_0 = arith.constant 0 : i32
    return %arg0, %c0_i32 : i32, i32
  }
  func.func @transform_3(%arg0: i32) -> (i32, i32) {
    %c0_i32 = arith.constant 0 : i32
    %c0_i32_0 = arith.constant 0 : i32
    return %arg0, %c0_i32 : i32, i32
  }
  func.func @transform_4(%arg0: i32) -> (i32, i32) {
    %c0_i32 = arith.constant 0 : i32
    %c0_i32_0 = arith.constant 0 : i32
    return %arg0, %c0_i32 : i32, i32
  }
}

module attributes {stable_mosaic.version = 14 : i64} {
  func.func @_tcb_body(%arg0: i32, %arg1: memref<2000x128xf32, #tpu.memory_space<vmem>>, %arg2: memref<2000x128xf32, #tpu.memory_space<vmem>>, %arg3: memref<2000x128xf32, #tpu.memory_space<vmem>>, %arg4: memref<2000x16xf32, #tpu.memory_space<vmem>>, %arg5: memref<1x128xf32, #tpu.memory_space<vmem>>, %arg6: memref<128x128xf32, #tpu.memory_space<vmem>>, %arg7: memref<2000x128xf32, #tpu.memory_space<vmem>>) attributes {dimension_semantics = [#tpu.dimension_semantics<arbitrary>], iteration_bounds = array<i64: 5>, scalar_prefetch = 0 : i64, scratch_operands = 0 : i64, tpu.core_type = #tpu.core_type<tc>, window_params = [{transform_indices = @transform_0, window_bounds = array<i64: 2000, 128>}, {transform_indices = @transform_1, window_bounds = array<i64: 2000, 128>}, {transform_indices = @transform_2, window_bounds = array<i64: 2000, 128>}, {transform_indices = @transform_3, window_bounds = array<i64: 2000, 16>}, {pipeline_mode = #tpu.pipeline_mode<synchronous>, transform_indices = @transform_4, window_bounds = array<i64: 1, 128>}, {pipeline_mode = #tpu.pipeline_mode<synchronous>, transform_indices = @transform_5, window_bounds = array<i64: 128, 128>}, {transform_indices = @transform_6, window_bounds = array<i64: 2000, 128>}]} {
    %get3A = arith.constant 0 : index
    %get3A_0 = arith.constant 0 : index
    %get3A_1 = vector.load %arg4[%get3A, %get3A_0] : memref<2000x16xf32, #tpu.memory_space<vmem>>, vector<2000x1xf32>
    %get3A_2 = arith.constant 0 : index
    %get3A_3 = arith.constant 0 : index
    %get3A_4 = vector.load %arg1[%get3A_2, %get3A_3] : memref<2000x128xf32, #tpu.memory_space<vmem>>, vector<2000x128xf32>
    %get3A_5 = arith.constant 0 : index
    %get3A_6 = arith.constant 0 : index
    %get3A_7 = vector.load %arg2[%get3A_5, %get3A_6] : memref<2000x128xf32, #tpu.memory_space<vmem>>, vector<2000x128xf32>
    %add3A = arith.addf %get3A_4, %get3A_7 : vector<2000x128xf32>
    %get3A_8 = arith.constant 0 : index
    %get3A_9 = arith.constant 0 : index
    %get3A_10 = vector.load %arg3[%get3A_8, %get3A_9] : memref<2000x128xf32, #tpu.memory_space<vmem>>, vector<2000x128xf32>
    %add3A_11 = arith.addf %add3A, %get3A_10 : vector<2000x128xf32>
    %mul3A = vector.broadcast %get3A_1 : vector<2000x1xf32> to vector<2000x128xf32>
    %mul3A_12 = arith.mulf %add3A_11, %mul3A : vector<2000x128xf32>
    %get3A_13 = arith.constant 0 : index
    %get3A_14 = arith.constant 0 : index
    %get3A_15 = vector.load %arg5[%get3A_13, %get3A_14] : memref<1x128xf32, #tpu.memory_space<vmem>>, vector<1x128xf32>
    %add3A_16 = vector.broadcast %get3A_15 : vector<1x128xf32> to vector<2000x128xf32>
    %add3A_17 = arith.addf %mul3A_12, %add3A_16 : vector<2000x128xf32>
    %max3A = arith.constant 0.000000e+00 : f32
    %max3A_18 = vector.broadcast %max3A : f32 to vector<2000x128xf32>
    %max3A_19 = arith.maximumf %add3A_17, %max3A_18 : vector<2000x128xf32>
    %get3A_20 = arith.constant 0 : index
    %get3A_21 = arith.constant 0 : index
    %get3A_22 = vector.load %arg6[%get3A_20, %get3A_21] : memref<128x128xf32, #tpu.memory_space<vmem>>, vector<128x128xf32>
    %dot_general3A = arith.constant dense<0.000000e+00> : vector<2000x128xf32>
    %dot_general3A_23 = tpu.matmul %max3A_19, %get3A_22, %dot_general3A {dimension_numbers = #tpu.dot_dimension_numbers<[1], [0], [0], [1], [0, 0, 1, 1], [], []>, precision = #tpu.contract_precision<fp32>, transpose_lhs_hint = false} : vector<2000x128xf32>, vector<128x128xf32>, vector<2000x128xf32> -> vector<2000x128xf32>
    %mul3A_24 = vector.broadcast %get3A_1 : vector<2000x1xf32> to vector<2000x128xf32>
    %mul3A_25 = arith.mulf %dot_general3A_23, %mul3A_24 : vector<2000x128xf32>
    %swap3A = arith.constant 0 : index
    %swap3A_26 = arith.constant 0 : index
    %swap3A_27 = vector.load %arg7[%swap3A, %swap3A_26] : memref<2000x128xf32, #tpu.memory_space<vmem>>, vector<2000x128xf32>
    tpu.vector_store %arg7[%swap3A, %swap3A_26], %mul3A_25 {strides = array<i32>} : memref<2000x128xf32, #tpu.memory_space<vmem>>, vector<2000x128xf32>,
    return
  }
  func.func @transform_0(%arg0: i32) -> (i32, i32) {
    %c0_i32 = arith.constant 0 : i32
    %c0_i32_0 = arith.constant 0 : i32
    return %arg0, %c0_i32 : i32, i32
  }
  func.func @transform_1(%arg0: i32) -> (i32, i32) {
    %c0_i32 = arith.constant 0 : i32
    %c0_i32_0 = arith.constant 0 : i32
    return %arg0, %c0_i32 : i32, i32
  }
  func.func @transform_2(%arg0: i32) -> (i32, i32) {
    %c0_i32 = arith.constant 0 : i32
    %c0_i32_0 = arith.constant 0 : i32
    return %arg0, %c0_i32 : i32, i32
  }
  func.func @transform_3(%arg0: i32) -> (i32, i32) {
    %c0_i32 = arith.constant 0 : i32
    %c0_i32_0 = arith.constant 0 : i32
    return %arg0, %c0_i32 : i32, i32
  }
  func.func @transform_4(%arg0: i32) -> (i32, i32) {
    %c0_i32 = arith.constant 0 : i32
    %c0_i32_0 = arith.constant 0 : i32
    %c0_i32_1 = arith.constant 0 : i32
    return %c0_i32, %c0_i32_0 : i32, i32
  }
  func.func @transform_5(%arg0: i32) -> (i32, i32) {
    %c0_i32 = arith.constant 0 : i32
    %c0_i32_0 = arith.constant 0 : i32
    %c0_i32_1 = arith.constant 0 : i32
    return %c0_i32, %c0_i32_0 : i32, i32
  }
  func.func @transform_6(%arg0: i32) -> (i32, i32) {
    %c0_i32 = arith.constant 0 : i32
    %c0_i32_0 = arith.constant 0 : i32
    return %arg0, %c0_i32 : i32, i32
  }
}

module attributes {stable_mosaic.version = 14 : i64} {
  func.func @_tcc_body(%arg0: i32, %arg1: memref<2000x128xf32, #tpu.memory_space<vmem>>, %arg2: memref<2000x128xf32, #tpu.memory_space<vmem>>, %arg3: memref<2000x128xf32, #tpu.memory_space<vmem>>, %arg4: memref<2000x16xf32, #tpu.memory_space<vmem>>, %arg5: memref<1x128xf32, #tpu.memory_space<vmem>>, %arg6: memref<2000x128xf32, #tpu.memory_space<vmem>>) attributes {dimension_semantics = [#tpu.dimension_semantics<arbitrary>], iteration_bounds = array<i64: 5>, scalar_prefetch = 0 : i64, scratch_operands = 0 : i64, tpu.core_type = #tpu.core_type<tc>, window_params = [{transform_indices = @transform_0, window_bounds = array<i64: 2000, 128>}, {transform_indices = @transform_1, window_bounds = array<i64: 2000, 128>}, {transform_indices = @transform_2, window_bounds = array<i64: 2000, 128>}, {transform_indices = @transform_3, window_bounds = array<i64: 2000, 16>}, {pipeline_mode = #tpu.pipeline_mode<synchronous>, transform_indices = @transform_4, window_bounds = array<i64: 1, 128>}, {transform_indices = @transform_5, window_bounds = array<i64: 2000, 128>}]} {
    %get3A = arith.constant 0 : index
    %get3A_0 = arith.constant 0 : index
    %get3A_1 = vector.load %arg4[%get3A, %get3A_0] : memref<2000x16xf32, #tpu.memory_space<vmem>>, vector<2000x1xf32>
    %get3A_2 = arith.constant 0 : index
    %get3A_3 = arith.constant 0 : index
    %get3A_4 = vector.load %arg1[%get3A_2, %get3A_3] : memref<2000x128xf32, #tpu.memory_space<vmem>>, vector<2000x128xf32>
    %get3A_5 = arith.constant 0 : index
    %get3A_6 = arith.constant 0 : index
    %get3A_7 = vector.load %arg2[%get3A_5, %get3A_6] : memref<2000x128xf32, #tpu.memory_space<vmem>>, vector<2000x128xf32>
    %add3A = arith.addf %get3A_4, %get3A_7 : vector<2000x128xf32>
    %get3A_8 = arith.constant 0 : index
    %get3A_9 = arith.constant 0 : index
    %get3A_10 = vector.load %arg3[%get3A_8, %get3A_9] : memref<2000x128xf32, #tpu.memory_space<vmem>>, vector<2000x128xf32>
    %add3A_11 = arith.addf %add3A, %get3A_10 : vector<2000x128xf32>
    %mul3A = vector.broadcast %get3A_1 : vector<2000x1xf32> to vector<2000x128xf32>
    %mul3A_12 = arith.mulf %add3A_11, %mul3A : vector<2000x128xf32>
    %get3A_13 = arith.constant 0 : index
    %get3A_14 = arith.constant 0 : index
    %get3A_15 = vector.load %arg5[%get3A_13, %get3A_14] : memref<1x128xf32, #tpu.memory_space<vmem>>, vector<1x128xf32>
    %add3A_16 = vector.broadcast %get3A_15 : vector<1x128xf32> to vector<2000x128xf32>
    %add3A_17 = arith.addf %mul3A_12, %add3A_16 : vector<2000x128xf32>
    %swap3A = arith.constant 0 : index
    %swap3A_18 = arith.constant 0 : index
    %swap3A_19 = vector.load %arg6[%swap3A, %swap3A_18] : memref<2000x128xf32, #tpu.memory_space<vmem>>, vector<2000x128xf32>
    tpu.vector_store %arg6[%swap3A, %swap3A_18], %add3A_17 {strides = array<i32>} : memref<2000x128xf32, #tpu.memory_space<vmem>>, vector<2000x128xf32>,
    return
  }
  func.func @transform_0(%arg0: i32) -> (i32, i32) {
    %c0_i32 = arith.constant 0 : i32
    %c0_i32_0 = arith.constant 0 : i32
    return %arg0, %c0_i32 : i32, i32
  }
  func.func @transform_1(%arg0: i32) -> (i32, i32) {
    %c0_i32 = arith.constant 0 : i32
    %c0_i32_0 = arith.constant 0 : i32
    return %arg0, %c0_i32 : i32, i32
  }
  func.func @transform_2(%arg0: i32) -> (i32, i32) {
    %c0_i32 = arith.constant 0 : i32
    %c0_i32_0 = arith.constant 0 : i32
    return %arg0, %c0_i32 : i32, i32
  }
  func.func @transform_3(%arg0: i32) -> (i32, i32) {
    %c0_i32 = arith.constant 0 : i32
    %c0_i32_0 = arith.constant 0 : i32
    return %arg0, %c0_i32 : i32, i32
  }
  func.func @transform_4(%arg0: i32) -> (i32, i32) {
    %c0_i32 = arith.constant 0 : i32
    %c0_i32_0 = arith.constant 0 : i32
    %c0_i32_1 = arith.constant 0 : i32
    return %c0_i32, %c0_i32_0 : i32, i32
  }
  func.func @transform_5(%arg0: i32) -> (i32, i32) {
    %c0_i32 = arith.constant 0 : i32
    %c0_i32_0 = arith.constant 0 : i32
    return %arg0, %c0_i32 : i32, i32
  }
}

</mosaic_0001>

<sc_bundles>
// kernel: kernel.12.cloned.1.call-start
scs
__scs_entry_jumppad:
0x0: {  	(pc) =	sbr.rel $0x88, $3  }
0x1: {  	(tag) =	ssettag $0x0;
	lr =	simm.s32 $0x1  }
0x2: {  	[smem:$0x3F9B] =	sst lr;
	_ =	strace $0xD0000000  }
0x3: {  	_ = 	snop  }
0x4: {  	_ = 	snop  }
0x5: {  	_ = 	snop  }
0x6: {  	_ = 	snop  }
0x7: {  	_ = 	snop  }
__scs_overlays_trampoline_lowered:
0x8: {  	[smem:$0x3FAA] =	sst s0  }
0x9: {  	[smem:$0x3FAB] =	sst s1  }
0xa: {  	[smem:$0x3FAC] =	sst s2  }
0xb: {  	[smem:$0x3FAD] =	sst s3  }
0xc: {  	[smem:$0x3FAE] =	sst s4  }
0xd: {  	[smem:$0x3FAF] =	sst s5  }
0xe: {  	[smem:$0x3FB0] =	sst s6  }
0xf: {  	[smem:$0x3FB1] =	sst s7  }
0x10: {  	[smem:$0x3FB2] =	sst s8  }
0x11: {  	[smem:$0x3FB3] =	sst s9;
	s0 =	simm.s32 @!p0 $0x0  }
0x12: {  	s1 =	sld [smem:$0x3F99];
	s0 =	simm.s32 @p0 $0x1  }
0x13: {  	[smem:$0x3FB4] =	sst s0;
	s0 =	simm.s32 @!p1 $0x0  }
0x14: {  	s2 =	sld [smem:$0x3F98];
	s0 =	simm.s32 @p1 $0x1  }
0x15: {  	[smem:$0x3FB5] =	sst s0;
	s0 =	simm.s32 @!p2 $0x0  }
0x16: {  	s3 =	sld [smem:$0x3FDB];
	s0 =	simm.s32 @p2 $0x1  }
0x17: {  	s4 =	simm.s32 $0x1BF5;
	[smem:$0x3FB7] =	sst s0  }
0x18: {  	s0 =	sld [smem:$0x3F9A];
	_ =	swait.ge [sflag:s4], $0x0  }
0x19: {  	s7 =	sld [smem:$0x3F9B]  }
0x1a: {  	s8 =	sadd.s32 $0xFFFFE003, lr  }
0x1b: {  	s9 =	sadd.s32 $0xFFFFFEF7, lr;
	s5 =	simm.s32 $0xFFFFFFFF;
	p2 =	slt.u32 s8, $0xFFFFF086  }
0x1c: {  	p1 =	slt.u32 s9, $0xF7A;
	s5 =	simm.s32 @!p2 $0x0  }
0x1d: {  	s5 =	simm.s32 @p1 $0x1;
	p0 =	seq.s32 s7, s2  }
0x1e: {  	s7 =	smul.u32 @!p0 $0xF7A, s2;
	p2 =	seq.s32 @!p0 s5, $0x0  }
0x1f: {  	s9 =	smul.u32 $0xF7A, s1;
	s8 =	simm.s32 @!p0 $0x1BF5;
	p2 =	por !p2, p0  }
0x20: {  	[sflag:s8] =	ssyncset.s32 @!p0 $0xFFFFF086;
	s6 =	sadd.s32 @!p0 s3, s7;
	s7 =	simm.s32 @!p0 $0x108  }
0x21: {  	s3 =	sadd.s32 s3, s9;
	s6 =	sadd.s32 @!p0 $0x88, s6;
	s7 =	simm.s32 @p2 $0x1082  }
0x22: {  	[simem:s7], [sflag:s8] =	dma.local @!p0 [hbm:s6], $0xF7A  }
0x23: {  	s9 =	sor.u32 $0xD0000000, s2;
	s6 =	simm.s32 $0x108;
	_ =	swait.ge @!p0 [sflag:s8], $0x0  }
0x24: {  	s3 =	sadd.s32 $0x88, s3;
	s6 =	simm.s32 @!p1 $0x1082;
	[sflag:s4] =	ssyncset.s32 $0xFFFFF086  }
0x25: {  	[simem:s6], [sflag:s4] =	dma.local [hbm:s3], $0xF7A  }
0x26: {  	[smem:$0x3F9B] =	sst s1;
	(tag) =	ssettag s2;
	_ =	strace s9  }
0x27: {  	s1 =	sld [smem:$0x3FAB]  }
0x28: {  	s2 =	sld [smem:$0x3FAC]  }
0x29: {  	s4 =	sld [smem:$0x3FAE]  }
0x2a: {  	p0 =	seq.s32 s5, $0x0;
	s5 =	sld [smem:$0x3FAF]  }
0x2b: {  	s6 =	sld [smem:$0x3FB0]  }
0x2c: {  	s7 =	sld [smem:$0x3FB1]  }
0x2d: {  	s3 =	simm.s32 $0x108;
	s8 =	sld [smem:$0x3FB2]  }
0x2e: {  	s3 =	simm.s32 @!p0 $0x1082;
	s9 =	sld [smem:$0x3FB3]  }
0x2f: {  	lr =	sadd.s32 s0, s3;
	s0 =	sld [smem:$0x3FAA]  }
0x30: {  	s3 =	sld [smem:$0x3FAD]  }
0x31: {  	[smem:$0x3FB6] =	sst s10  }
0x32: {  	s10 =	sld [smem:$0x3FB4];
	_ =	sdelay $0x3  }
0x33: {  	p0 =	seq.s32 s10, $0x1;
	s10 =	sld [smem:$0x3FB6];
	_ =	sdelay $0x3  }
0x34: {  	[smem:$0x3FB6] =	sst s10  }
0x35: {  	s10 =	sld [smem:$0x3FB5];
	_ =	sdelay $0x3  }
0x36: {  	p1 =	seq.s32 s10, $0x1;
	s10 =	sld [smem:$0x3FB6];
	_ =	sdelay $0x3  }
0x37: {  	[smem:$0x3FB6] =	sst s10  }
0x38: {  	s10 =	sld [smem:$0x3FB7]  }
0x39: {  	_ = 	snop;
	(pc) =	sbr.ind lr, $3  }
0x3a: {  	_ = 	snop  }
0x3b: {  	_ = 	snop  }
0x3c: {  	p2 =	seq.s32 s10, $0x1;
	s10 =	sld [smem:$0x3FB6]  }
0x3d: {  	_ =	shalt  }
0x3e: {  	_ =	shalt  }
0x3f: {  	_ =	shalt  }
0x40: {  	_ =	shalt  }
0x41: {  	_ =	shalt  }
0x42: {  	_ =	shalt  }
0x43: {  	_ =	shalt  }
0x44: {  	_ =	shalt  }
0x45: {  	_ =	shalt  }
0x46: {  	_ =	shalt  }
0x47: {  	_ =	shalt  }
0x48: {  	_ =	shalt  }
0x49: {  	_ =	shalt  }
0x4a: {  	_ =	shalt  }
0x4b: {  	_ =	shalt  }
0x4c: {  	_ =	shalt  }
0x4d: {  	_ =	shalt  }
0x4e: {  	_ =	shalt  }
0x4f: {  	_ =	shalt  }
0x50: {  	_ =	shalt  }
0x51: {  	_ =	shalt  }
0x52: {  	_ =	shalt  }
0x53: {  	_ =	shalt  }
0x54: {  	_ =	shalt  }
0x55: {  	_ =	shalt  }
0x56: {  	_ =	shalt  }
0x57: {  	_ =	shalt  }
0x58: {  	_ =	shalt  }
0x59: {  	_ =	shalt  }
0x5a: {  	_ =	shalt  }
0x5b: {  	_ =	shalt  }
0x5c: {  	_ =	shalt  }
0x5d: {  	_ =	shalt  }
0x5e: {  	_ =	shalt  }
0x5f: {  	_ =	shalt  }
0x60: {  	_ =	shalt  }
0x61: {  	_ =	shalt  }
0x62: {  	_ =	shalt  }
0x63: {  	_ =	shalt  }
0x64: {  	_ =	shalt  }
0x65: {  	_ =	shalt  }
0x66: {  	_ =	shalt  }
0x67: {  	_ =	shalt  }
0x68: {  	_ =	shalt  }
0x69: {  	_ =	shalt  }
0x6a: {  	_ =	shalt  }
0x6b: {  	_ =	shalt  }
0x6c: {  	_ =	shalt  }
0x6d: {  	_ =	shalt  }
0x6e: {  	_ =	shalt  }
0x6f: {  	_ =	shalt  }
0x70: {  	_ =	shalt  }
0x71: {  	_ =	shalt  }
0x72: {  	_ =	shalt  }
0x73: {  	_ =	shalt  }
0x74: {  	_ =	shalt  }
0x75: {  	_ =	shalt  }
0x76: {  	_ =	shalt  }
0x77: {  	_ =	shalt  }
0x78: {  	_ =	shalt  }
0x79: {  	_ =	shalt  }
0x7a: {  	_ =	shalt  }
0x7b: {  	_ =	shalt  }
0x7c: {  	_ =	shalt  }
0x7d: {  	_ =	shalt  }
0x7e: {  	_ =	shalt  }
0x7f: {  	_ =	shalt  }
0x80: {  	_ =	shalt  }
0x81: {  	_ =	shalt  }
0x82: {  	_ =	shalt  }
0x83: {  	_ =	shalt  }
0x84: {  	_ =	shalt  }
0x85: {  	_ =	shalt  }
0x86: {  	_ =	shalt  }
0x87: {  	_ =	shalt  }
.Lfunc_end0:
.L_simem_size_0:
called_computation.1_lowered:
.L_overlay_start_0:
0x88: {  	s2 =	sld [smem:$0x3FD9]  }
0x89: {  	s3 =	sld [smem:$0x3FFE];
	_ =	sdelay $0x1  }
0x8a: {  	s1 =	srdreg.scid  }
0x8b: {  	s0 =	sand.u32 $0x1, s1  }
0x8c: {  	s17 =	sshll.u32 s0, $0xA;
	s2 =	sadd.s32 s3, s2  }
0x8d: {  	s2 =	sadd.s32 s2, s17  }
0x8e: {  	[smem:$0x3FC2] =	sst s2  }
0x8f: {  	_ = 	snop  }
0x90: {  	s2 =	sld [smem:$0x3FD0];
	(tm) =	ssettm $0x1  }
0x91: {  	s18 =	sld [smem:$0x3FFB];
	_ =	sdelay $0x3  }
0x92: {  	_ =	strace s18  }
0x93: {  	s3 =	sld [smem:$0x3FFC];
	_ =	sdelay $0x3  }
0x94: {  	_ =	strace s3  }
0x95: {  	s3 =	sld [smem:$0x3FFD];
	_ =	sdelay $0x3  }
0x96: {  	_ =	strace s3  }
0x97: {  	_ =	strace $0x8FFFFFFF  }
0x98: {  	s19 =	sld [smem:$0x3FDB];
	_ =	sdelay $0x1  }
0x99: {  	s4 =	simm.s32 $_scs_section_size  }
0x9a: {  	s5 =	simm.s32 $_size__tile_overlayer_lowered;
	s6 =	simm.s32 $_tile_overlayer_lowered  }
0x9b: {  	s22 =	simm.s32 $0x1BFF;
	s21 =	sshll.u32 s6, $0x1;
	s3 =	sadd.s32 s4, s19  }
0x9c: {  	s7 =	simm.s32 $0x0;
	s20 =	sshll.u32 s5, $0x1;
	s5 =	sadd.s32 s21, s3  }
0x9d: {  	[timem:s7], [sflag:s22] =	dma.local [hbm:s5], s20  }
0x9e: {  	_ =	swait.ge [sflag:s22], s20  }
0x9f: {  	s4 =	ssub.s32 $0x0, s20;
	[sflag:s22] =	ssyncset.done $0x0  }
0xa0: {  	[sflag:s22] =	ssyncadd.s32 s4;
	_ =	sdelay $0x1  }
0xa1: {  	s23 =	simm.s32 $0x1B8B  }
0xa2: {  	_ =	swait.ge [sflag:s23], $0x1  }
0xa3: {  	[sflag:s23] =	ssyncset.done $0x0  }
0xa4: {  	s25 =	simm.s32 $0x1B8E;
	s24 =	sld [smem:$0x3FFE];
	[sflag:s23] =	ssyncadd.s32 $0xFFFFFFFF  }
0xa5: {  	s26 =	simm.s32 $execute0_lowered;
	[smem:$0x3FD2] =	sst s25  }
0xa6: {  	s5 =	sshll.u32 s26, $0x1;
	_ =	strace $0x80000049;
	[dreg:$0x1] =	wrdreg $0xFFFFFFFF  }
0xa7: {  	s28 =	simm.s32 $_size_execute0_lowered;
	s3 =	sadd.s32 s3, s5;
	[dreg:$0x0] =	wrdreg $0x0  }
0xa8: {  	s5 =	sshll.u32 s28, $0x1;
	[dreg:$0x2] =	wrdreg s3  }
0xa9: {  	[dreg:$0x3] =	wrdreg s5  }
0xaa: {  	[dreg:$0x4] =	wrdreg $0xC0  }
0xab: {  	_ =	task [dreg:s7], $0x5FFFF  }
0xac: {  	[dreg:$0x1] =	wrdreg $0xFFFFFFFF  }
0xad: {  	[dreg:$0x0] =	wrdreg $0x60  }
0xae: {  	[dreg:$0x2] =	wrdreg s2  }
0xaf: {  	[dreg:$0x3] =	wrdreg s24  }
0xb0: {  	[dreg:$0x4] =	wrdreg $0xA8000  }
0xb1: {  	[dreg:$0x5] =	wrdreg $0x9  }
0xb2: {  	_ =	task.clear_ibuf [dreg:s7], $0x6FFFF;
	_ =	strace $0x90000049  }
0xb3: {  	s29 =	simm.s32 $0x9;
	_ =	strace $0x8000004B  }
0xb4: {  	_ =	swait.ge [sflag:s29], $0x1  }
0xb5: {  	[sflag:s29] =	ssyncadd.s32 $0xFFFFFFFF  }
0xb6: {  	_ =	strace $0x9000004B  }
0xb7: {  	_ =	sfence  }
0xb8: {  	s30 =	sld [smem:$0x0];
	_ =	sdelay $0x2  }
0xb9: {  	s31 =	sshll.u32 s1, $0xD;
	s1 =	sshrl.u32 s1, $0x2  }
0xba: {  	s3 =	sand.u32 $0x4000, s31;
	s1 =	sadd.s32 s1, s30  }
0xbb: {  	s0 =	sor.u32 s3, s0;
	s1 =	sshll.u32 s1, $0x11  }
0xbc: {  	s0 =	sor.u32 s1, s0  }
0xbd: {  	s0 =	sadd.s32 $0x8F2B, s0  }
0xbe: {  	[sflag:s0] =	ssyncadd.remote.s32 $0x1  }
0xbf: {  	_ =	sfence.sel $0xFFFF  }
0xc0: {  	[dreg:$0x0] =	wrdreg $0xFFFFFFFF;
	(pc) =	sbr.abs _section_cstart, $3  }
0xc1: {  	[dreg:$0x1] =	wrdreg $0xFFFFFFFF  }
0xc2: {  	_ =	task.clear_ibuf [dreg:s7], $0x2FFFF;
	_ =	strace $0x9FFFFFFF  }
0xc3: {  	(tm) =	ssettm $0x7FFFFFFF  }
tec
execute0_lowered:
.L_overlay_start_1:
0x0: {  	(tag) =	ssettag $0x1  }
0x1: {  	s2 =	rddreg [dreg:$0x0]  }
0x2: {  	s7 =	rddreg [dreg:$0x1]  }
0x3: {  	s3 =	rddreg [dreg:$0x2]  }
0x4: {  	s0 =	rddreg [dreg:$0x3];
	s1 =	stileid.u32  }
0x5: {  	s5 =	srdreg.scid;
	s4 =	simm.s32 $0x0;
	s16 =	simm.s32 $0x2800  }
0x6: {  	s17 =	simm.s32 $0x6800;
	s18 =	simm.s32 $0x1;
	s19 =	simm.s32 $0x2  }
0x7: {  	s21 =	simm.s32 $0x2780;
	s8 =	smul.u32 $0x13C00, s1;
	s20 =	sand.u32 $0x1, s5  }
0x8: {  	[smem:$0x7FF] =	sst s4;
	s5 =	sadd.s32 $0x3600, s7;
	s11 =	smul.u32 $0x4F000, s1  }
0x9: {  	s6 =	sadd.s32 $0xD600, s7;
	s13 =	smul.u32 $0xA0, s1;
	s31 =	sshll.u32 s1, $0x6  }
0xa: {  	s9 =	smul.u32 $0x13C000, s20;
	_ =	strace $0x8000004A;
	s26 =	ssub.s32 $0x2, s20  }
0xb: {  	s30 =	smul.u32 $0x78, s20;
	p0 =	sne.s32 s20, $0x0;
	s20 =	simm.s32 $0x2700  }
0xc: {  	s10 =	sshrl.u32 s8, $0x3;
	s28 =	sshrl.u32 s26, $0x1;
	s29 =	sshrl.u32 s11, $0x2  }
0xd: {  	s10 =	sadd.s32 s10, s7;
	s8 =	sadd.s32 s8, s9;
	s14 =	ssub.s32 s26, s28  }
0xe: {  	s15 =	sadd.s32 s29, s3;
	s9 =	sadd.s32 s30, s13;
	s13 =	simm.s32 $0x3  }
0xf: {  	s8 =	sshrl.u32 s8, $0x3;
	s11 =	smax.u32 s14, $0x1;
	s14 =	simm.s32 $0x1400  }
0x10: {  	s12 =	sadd.s32 s8, s7;
	s7 =	sadd.s32 $0x17600, s10;
	s8 =	sor.u32 $0x1C03, s31  }
0x11: {  	s10 =	sadd.s32 $0x66000, s12;
	s12 =	sshrl.u32 s15, $0x3;
	s15 =	simm.s32 $0x80  }
.LBB2_1:
0x12: {  	[spmem:s12], [sflag:s8] =	dma.local [hbm:s7], $0x2780  }
0x13: {  	_ =	swait.ge [sflag:s13], $0x2780  }
0x14: {  	[sflag:s13] =	ssyncset.done $0x0  }
0x15: {  	[sflag:s13] =	ssyncadd.s32 $0xFFFFD880  }
0x16: {  	s22 =	simm.s32 $0x0;
	[bflag:$0x0] =	sbarrier.arrive $0xFFFF  }
.LBB2_2:
0x17: {  	s23 =	smul.u32 $0x28, s22;
	_ =	sdelay $0x1  }
0x18: {  	s23 =	sadd.s32 s23, s9  }
0x19: {  	s23 =	sshll.u32 s23, $0x4  }
0x1a: {  	s25 =	simm.s32 $0x0;
	s24 =	sadd.s32 s5, s23  }
0x1b: {  	[tilespmem:s25], [sflag:$0x3] =	stream.linear.gather [hbm4b:s24+s25], $0x1400, $0x38;
	[tilespmem:$0x1E400] =	vst v63  }
0x1c: {  	_ =	swait.ge [sflag:s13], $0x1400  }
0x1d: {  	[sflag:s13] =	ssyncset.done $0x0  }
0x1e: {  	s23 =	sadd.s32 s6, s23;
	[sflag:s13] =	ssyncadd.s32 $0xFFFFEC00  }
0x1f: {  	[tilespmem:s14], [sflag:$0x3] =	stream.linear.gather [hbm4b:s23+s25], $0x1400, $0x38;
	[tilespmem:$0x1E400] =	vst v63  }
0x20: {  	_ =	swait.ge [sflag:s13], $0x1400  }
0x21: {  	[sflag:s13] =	ssyncset.done $0x0  }
0x22: {  	[sflag:s13] =	ssyncadd.s32 $0xFFFFEC00  }
0x23: {  	[tilespmem:s16], [sflag:$0x1] =	stream.indirect.gather [hbm4b:s2+s15], $0x80, s25, s15, $0xb8;
	[tilespmem:$0x1E400] =	vst v63  }
0x24: {  	_ = 	snop  }
0x25: {  	[tilespmem:s17], [sflag:$0x2] =	stream.indirect.gather [hbm4b:s2+s15], $0x80, s15, s15, $0xb8;
	[tilespmem:$0x1E400] =	vst v63  }
0x26: {  	_ =	swait.ge [sflag:s18], $0x4000  }
0x27: {  	[sflag:s18] =	ssyncset.done $0x0  }
0x28: {  	s29 =	simm.s32 $0x1400;
	[sflag:s18] =	ssyncadd.s32 $0xFFFFC000  }
0x29: {  	[spmem:s3] =	stream.indirect.scatter.add.f32 [tilespmem:s16], [sflag:$0x3], $0x80, s29, s15, $0xb8;
	[tilespmem:$0x1E400] =	vst v63  }
0x2a: {  	_ =	swait.ge [sflag:s13], $0x4000  }
0x2b: {  	[sflag:s13] =	ssyncset.done $0x0  }
0x2c: {  	s30 =	simm.s32 $0x100;
	[sflag:s13] =	ssyncadd.s32 $0xFFFFC000  }
0x2d: {  	[tilespmem:s16], [sflag:$0x1] =	stream.indirect.gather [hbm4b:s2+s15], $0x80, s30, s15, $0xb8;
	[tilespmem:$0x1E400] =	vst v63  }
0x2e: {  	_ =	swait.ge [sflag:s19], $0x4000  }
0x2f: {  	[sflag:s19] =	ssyncset.done $0x0  }
0x30: {  	s31 =	simm.s32 $0x1480;
	[sflag:s19] =	ssyncadd.s32 $0xFFFFC000  }
0x31: {  	[spmem:s3] =	stream.indirect.scatter.add.f32 [tilespmem:s17], [sflag:$0x3], $0x80, s31, s15, $0xb8;
	[tilespmem:$0x1E400] =	vst v63  }
0x32: {  	_ =	swait.ge [sflag:s13], $0x4000  }
0x33: {  	[sflag:s13] =	ssyncset.done $0x0  }
0x34: {  	s24 =	simm.s32 $0x180;
	s23 =	simm.s32 $0x400;
	[sflag:s13] =	ssyncadd.s32 $0xFFFFC000  }
.LBB2_3:
0x35: {  	[tilespmem:s17], [sflag:$0x2] =	stream.indirect.gather [hbm4b:s2+s15], $0x80, s24, s15, $0xb8;
	[tilespmem:$0x1E400] =	vst v63  }
0x36: {  	s24 =	smov.u32 s23  }
0x37: {  	p1 =	sne.s32 s23, $0x4800;
	s23 =	sadd.s32 $0x400, s23;
	_ =	swait.ge [sflag:s18], $0x4000  }
0x38: {  	s24 =	sshra.s32 s24, $0x2;
	[sflag:s18] =	ssyncset.done $0x0  }
0x39: {  	s25 =	sadd.s32 $0x1400, s24;
	[sflag:s18] =	ssyncadd.s32 $0xFFFFC000  }
0x3a: {  	[spmem:s3] =	stream.indirect.scatter.add.f32 [tilespmem:s16], [sflag:$0x3], $0x80, s25, s15, $0xb8;
	[tilespmem:$0x1E400] =	vst v63  }
0x3b: {  	_ =	swait.ge [sflag:s13], $0x4000  }
0x3c: {  	[sflag:s13] =	ssyncset.done $0x0  }
0x3d: {  	s25 =	sadd.s32 $0x100, s24;
	[sflag:s13] =	ssyncadd.s32 $0xFFFFC000  }
0x3e: {  	[tilespmem:s16], [sflag:$0x1] =	stream.indirect.gather [hbm4b:s2+s15], $0x80, s25, s15, $0xb8;
	[tilespmem:$0x1E400] =	vst v63  }
0x3f: {  	_ =	swait.ge [sflag:s19], $0x4000  }
0x40: {  	[sflag:s19] =	ssyncset.done $0x0  }
.Ltmp0:
0x41: {  	s25 =	sadd.s32 $0x1480, s24;
	[sflag:s19] =	ssyncadd.s32 $0xFFFFC000;
	(pc) =	sbr.rel @p1 .LBB2_3-.Ltmp0, $4  }
0x42: {  	[spmem:s3] =	stream.indirect.scatter.add.f32 [tilespmem:s17], [sflag:$0x3], $0x80, s25, s15, $0xb8;
	[tilespmem:$0x1E400] =	vst v63  }
0x43: {  	_ =	swait.ge [sflag:s13], $0x4000  }
0x44: {  	[sflag:s13] =	ssyncset.done $0x0  }
0x45: {  	s24 =	sadd.s32 $0x180, s24;
	[sflag:s13] =	ssyncadd.s32 $0xFFFFC000  }
0x46: {  	[tilespmem:s17], [sflag:$0x2] =	stream.indirect.gather [hbm4b:s2+s15], $0x80, s24, s15, $0xb8;
	[tilespmem:$0x1E400] =	vst v63  }
0x47: {  	_ =	swait.ge [sflag:s18], $0x4000  }
0x48: {  	[sflag:s18] =	ssyncset.done $0x0  }
0x49: {  	[sflag:s18] =	ssyncadd.s32 $0xFFFFC000  }
0x4a: {  	[spmem:s3] =	stream.indirect.scatter.add.f32 [tilespmem:s16], [sflag:$0x3], $0x80, s20, s15, $0xb8;
	[tilespmem:$0x1E400] =	vst v63  }
0x4b: {  	_ =	swait.ge [sflag:s13], $0x4000  }
0x4c: {  	[sflag:s13] =	ssyncset.done $0x0  }
0x4d: {  	[sflag:s13] =	ssyncadd.s32 $0xFFFFC000  }
0x4e: {  	p1 =	slt.u32 @!p0 s22, $0x2;
	_ =	swait.ge [sflag:s19], $0x4000  }
0x4f: {  	p1 =	por p0, !p1;
	[sflag:s19] =	ssyncset.done $0x0  }
.Ltmp1:
0x50: {  	[sflag:s19] =	ssyncadd.s32 $0xFFFFC000;
	(pc) =	sbr.rel @!p1 .LBB2_2-.Ltmp1, $4  }
0x51: {  	[spmem:s3] =	stream.indirect.scatter.add.f32 [tilespmem:s17], [sflag:$0x3], $0x80, s21, s15, $0xb8;
	[tilespmem:$0x1E400] =	vst v63  }
0x52: {  	_ =	swait.ge [sflag:s13], $0x4000  }
0x53: {  	[sflag:s13] =	ssyncset.done $0x0  }
0x54: {  	s22 =	sadd.s32 $0x1, s22;
	[sflag:s13] =	ssyncadd.s32 $0xFFFFC000  }
0x55: {  	s4 =	sadd.s32 $0x1, s4  }
0x56: {  	p1 =	sne.s32 s4, s11  }
.Ltmp2:
0x57: {  	[bflag:$0x0] =	sbarrier.arrive $0xFFFF;
	(pc) =	sbr.rel @p1 .LBB2_1-.Ltmp2, $4  }
0x58: {  	[hbm:s10], [sflag:s8] =	dma.local [spmem:s12], $0x2780  }
0x59: {  	_ =	swait.ge [sflag:s13], $0x2780  }
0x5a: {  	[sflag:s13] =	ssyncset.done $0x0  }
0x5b: {  	[sflag:s13] =	ssyncadd.s32 $0xFFFFD880  }
0x5c: {  	_ =	sfence.sel $0x180000  }
0x5d: {  	[bflag:$0x0] =	sbarrier.arrive $0xFFFF  }
0x5e: {  	p0 =	sne.s32 s1, $0x0;
	_ =	strace $0x9000004A  }
0x5f: {  	s0 =	sadd.s32 @!p0 $0x100000, s0;
	[bflag:$0x2] =	sbarrier.arrive $0xFFFF  }
0x60: {  	[sflag:s0] =	ssyncadd.tile.s32 @!p0 $0x1;
	_ =	shalt  }
.Lfunc_end2:
_tile_overlayer_lowered:
.L_overlay_start_2:
0x61: {  	(tag) =	ssettag $0x2  }
0x62: {  	s0 =	rddreg [dreg:$0x0];
	s2 =	stileid.u32  }
0x63: {  	s1 =	rddreg [dreg:$0x1];
	p0 =	sne.s32 s2, $0x0  }
0x64: {  	s3 =	rddreg [dreg:$0x2];
	[bflag:$0x3] =	sbarrier.arrive $0xFFFF;
	s2 =	simm.s32 @!p0 $0x1C03  }
0x65: {  	[timem:s3], [sflag:s2] =	dma.local @!p0 [hbm:s0], s1  }
0x66: {  	s0 =	simm.s32 @!p0 $0x3  }
0x67: {  	_ =	swait.ge @!p0 [sflag:s0], s1  }
0x68: {  	s1 =	ssub.s32 @!p0 $0x0, s1;
	[sflag:s0] =	ssyncset.done @!p0 $0x0  }
0x69: {  	[sflag:s0] =	ssyncadd.s32 @!p0 s1  }
0x6a: {  	[bflag:$0x3] =	sbarrier.arrive $0xFFFF  }
0x6b: {  	_ =	shalt  }

// kernel: kernel.15.cloned.1.call-start
scs
__scs_entry_jumppad:
0x0: {  	(pc) =	sbr.rel $0x88, $3  }
0x1: {  	(tag) =	ssettag $0x0;
	lr =	simm.s32 $0x1  }
0x2: {  	[smem:$0x3F9B] =	sst lr;
	_ =	strace $0xD0000000  }
0x3: {  	_ = 	snop  }
0x4: {  	_ = 	snop  }
0x5: {  	_ = 	snop  }
0x6: {  	_ = 	snop  }
0x7: {  	_ = 	snop  }
__scs_overlays_trampoline_lowered:
0x8: {  	[smem:$0x3FAA] =	sst s0  }
0x9: {  	[smem:$0x3FAB] =	sst s1  }
0xa: {  	[smem:$0x3FAC] =	sst s2  }
0xb: {  	[smem:$0x3FAD] =	sst s3  }
0xc: {  	[smem:$0x3FAE] =	sst s4  }
0xd: {  	[smem:$0x3FAF] =	sst s5  }
0xe: {  	[smem:$0x3FB0] =	sst s6  }
0xf: {  	[smem:$0x3FB1] =	sst s7  }
0x10: {  	[smem:$0x3FB2] =	sst s8  }
0x11: {  	[smem:$0x3FB3] =	sst s9;
	s0 =	simm.s32 @!p0 $0x0  }
0x12: {  	s1 =	sld [smem:$0x3F99];
	s0 =	simm.s32 @p0 $0x1  }
0x13: {  	[smem:$0x3FB4] =	sst s0;
	s0 =	simm.s32 @!p1 $0x0  }
0x14: {  	s2 =	sld [smem:$0x3F98];
	s0 =	simm.s32 @p1 $0x1  }
0x15: {  	[smem:$0x3FB5] =	sst s0;
	s0 =	simm.s32 @!p2 $0x0  }
0x16: {  	s3 =	sld [smem:$0x3FDB];
	s0 =	simm.s32 @p2 $0x1  }
0x17: {  	s4 =	simm.s32 $0x1BF5;
	[smem:$0x3FB7] =	sst s0  }
0x18: {  	s0 =	sld [smem:$0x3F9A];
	_ =	swait.ge [sflag:s4], $0x0  }
0x19: {  	s7 =	sld [smem:$0x3F9B]  }
0x1a: {  	s8 =	sadd.s32 $0xFFFFE003, lr  }
0x1b: {  	s9 =	sadd.s32 $0xFFFFFEF7, lr;
	s5 =	simm.s32 $0xFFFFFFFF;
	p2 =	slt.u32 s8, $0xFFFFF086  }
0x1c: {  	p1 =	slt.u32 s9, $0xF7A;
	s5 =	simm.s32 @!p2 $0x0  }
0x1d: {  	s5 =	simm.s32 @p1 $0x1;
	p0 =	seq.s32 s7, s2  }
0x1e: {  	s7 =	smul.u32 @!p0 $0xF7A, s2;
	p2 =	seq.s32 @!p0 s5, $0x0  }
0x1f: {  	s9 =	smul.u32 $0xF7A, s1;
	s8 =	simm.s32 @!p0 $0x1BF5;
	p2 =	por !p2, p0  }
0x20: {  	[sflag:s8] =	ssyncset.s32 @!p0 $0xFFFFF086;
	s6 =	sadd.s32 @!p0 s3, s7;
	s7 =	simm.s32 @!p0 $0x108  }
0x21: {  	s3 =	sadd.s32 s3, s9;
	s6 =	sadd.s32 @!p0 $0x88, s6;
	s7 =	simm.s32 @p2 $0x1082  }
0x22: {  	[simem:s7], [sflag:s8] =	dma.local @!p0 [hbm:s6], $0xF7A  }
0x23: {  	s9 =	sor.u32 $0xD0000000, s2;
	s6 =	simm.s32 $0x108;
	_ =	swait.ge @!p0 [sflag:s8], $0x0  }
0x24: {  	s3 =	sadd.s32 $0x88, s3;
	s6 =	simm.s32 @!p1 $0x1082;
	[sflag:s4] =	ssyncset.s32 $0xFFFFF086  }
0x25: {  	[simem:s6], [sflag:s4] =	dma.local [hbm:s3], $0xF7A  }
0x26: {  	[smem:$0x3F9B] =	sst s1;
	(tag) =	ssettag s2;
	_ =	strace s9  }
0x27: {  	s1 =	sld [smem:$0x3FAB]  }
0x28: {  	s2 =	sld [smem:$0x3FAC]  }
0x29: {  	s4 =	sld [smem:$0x3FAE]  }
0x2a: {  	p0 =	seq.s32 s5, $0x0;
	s5 =	sld [smem:$0x3FAF]  }
0x2b: {  	s6 =	sld [smem:$0x3FB0]  }
0x2c: {  	s7 =	sld [smem:$0x3FB1]  }
0x2d: {  	s3 =	simm.s32 $0x108;
	s8 =	sld [smem:$0x3FB2]  }
0x2e: {  	s3 =	simm.s32 @!p0 $0x1082;
	s9 =	sld [smem:$0x3FB3]  }
0x2f: {  	lr =	sadd.s32 s0, s3;
	s0 =	sld [smem:$0x3FAA]  }
0x30: {  	s3 =	sld [smem:$0x3FAD]  }
0x31: {  	[smem:$0x3FB6] =	sst s10  }
0x32: {  	s10 =	sld [smem:$0x3FB4];
	_ =	sdelay $0x3  }
0x33: {  	p0 =	seq.s32 s10, $0x1;
	s10 =	sld [smem:$0x3FB6];
	_ =	sdelay $0x3  }
0x34: {  	[smem:$0x3FB6] =	sst s10  }
0x35: {  	s10 =	sld [smem:$0x3FB5];
	_ =	sdelay $0x3  }
0x36: {  	p1 =	seq.s32 s10, $0x1;
	s10 =	sld [smem:$0x3FB6];
	_ =	sdelay $0x3  }
0x37: {  	[smem:$0x3FB6] =	sst s10  }
0x38: {  	s10 =	sld [smem:$0x3FB7]  }
0x39: {  	_ = 	snop;
	(pc) =	sbr.ind lr, $3  }
0x3a: {  	_ = 	snop  }
0x3b: {  	_ = 	snop  }
0x3c: {  	p2 =	seq.s32 s10, $0x1;
	s10 =	sld [smem:$0x3FB6]  }
0x3d: {  	_ =	shalt  }
0x3e: {  	_ =	shalt  }
0x3f: {  	_ =	shalt  }
0x40: {  	_ =	shalt  }
0x41: {  	_ =	shalt  }
0x42: {  	_ =	shalt  }
0x43: {  	_ =	shalt  }
0x44: {  	_ =	shalt  }
0x45: {  	_ =	shalt  }
0x46: {  	_ =	shalt  }
0x47: {  	_ =	shalt  }
0x48: {  	_ =	shalt  }
0x49: {  	_ =	shalt  }
0x4a: {  	_ =	shalt  }
0x4b: {  	_ =	shalt  }
0x4c: {  	_ =	shalt  }
0x4d: {  	_ =	shalt  }
0x4e: {  	_ =	shalt  }
0x4f: {  	_ =	shalt  }
0x50: {  	_ =	shalt  }
0x51: {  	_ =	shalt  }
0x52: {  	_ =	shalt  }
0x53: {  	_ =	shalt  }
0x54: {  	_ =	shalt  }
0x55: {  	_ =	shalt  }
0x56: {  	_ =	shalt  }
0x57: {  	_ =	shalt  }
0x58: {  	_ =	shalt  }
0x59: {  	_ =	shalt  }
0x5a: {  	_ =	shalt  }
0x5b: {  	_ =	shalt  }
0x5c: {  	_ =	shalt  }
0x5d: {  	_ =	shalt  }
0x5e: {  	_ =	shalt  }
0x5f: {  	_ =	shalt  }
0x60: {  	_ =	shalt  }
0x61: {  	_ =	shalt  }
0x62: {  	_ =	shalt  }
0x63: {  	_ =	shalt  }
0x64: {  	_ =	shalt  }
0x65: {  	_ =	shalt  }
0x66: {  	_ =	shalt  }
0x67: {  	_ =	shalt  }
0x68: {  	_ =	shalt  }
0x69: {  	_ =	shalt  }
0x6a: {  	_ =	shalt  }
0x6b: {  	_ =	shalt  }
0x6c: {  	_ =	shalt  }
0x6d: {  	_ =	shalt  }
0x6e: {  	_ =	shalt  }
0x6f: {  	_ =	shalt  }
0x70: {  	_ =	shalt  }
0x71: {  	_ =	shalt  }
0x72: {  	_ =	shalt  }
0x73: {  	_ =	shalt  }
0x74: {  	_ =	shalt  }
0x75: {  	_ =	shalt  }
0x76: {  	_ =	shalt  }
0x77: {  	_ =	shalt  }
0x78: {  	_ =	shalt  }
0x79: {  	_ =	shalt  }
0x7a: {  	_ =	shalt  }
0x7b: {  	_ =	shalt  }
0x7c: {  	_ =	shalt  }
0x7d: {  	_ =	shalt  }
0x7e: {  	_ =	shalt  }
0x7f: {  	_ =	shalt  }
0x80: {  	_ =	shalt  }
0x81: {  	_ =	shalt  }
0x82: {  	_ =	shalt  }
0x83: {  	_ =	shalt  }
0x84: {  	_ =	shalt  }
0x85: {  	_ =	shalt  }
0x86: {  	_ =	shalt  }
0x87: {  	_ =	shalt  }
.Lfunc_end0:
.L_simem_size_0:
called_computation.2_lowered:
.L_overlay_start_0:
0x88: {  	s2 =	sld [smem:$0x3FD9]  }
0x89: {  	s3 =	sld [smem:$0x3FFE];
	_ =	sdelay $0x1  }
0x8a: {  	s1 =	srdreg.scid  }
0x8b: {  	s0 =	sand.u32 $0x1, s1  }
0x8c: {  	s17 =	sshll.u32 s0, $0xA;
	s2 =	sadd.s32 s3, s2  }
0x8d: {  	s2 =	sadd.s32 s2, s17  }
0x8e: {  	[smem:$0x3FC2] =	sst s2  }
0x8f: {  	_ = 	snop  }
0x90: {  	s2 =	sld [smem:$0x3FD0];
	(tm) =	ssettm $0x1  }
0x91: {  	s18 =	sld [smem:$0x3FFB];
	_ =	sdelay $0x3  }
0x92: {  	_ =	strace s18  }
0x93: {  	s3 =	sld [smem:$0x3FFC];
	_ =	sdelay $0x3  }
0x94: {  	_ =	strace s3  }
0x95: {  	s3 =	sld [smem:$0x3FFD];
	_ =	sdelay $0x3  }
0x96: {  	_ =	strace s3  }
0x97: {  	_ =	strace $0x8FFFFFFF  }
0x98: {  	s19 =	sld [smem:$0x3FDB];
	_ =	sdelay $0x1  }
0x99: {  	s4 =	simm.s32 $_scs_section_size  }
0x9a: {  	s5 =	simm.s32 $_size__tile_overlayer_lowered;
	s6 =	simm.s32 $_tile_overlayer_lowered  }
0x9b: {  	s22 =	simm.s32 $0x1BFF;
	s21 =	sshll.u32 s6, $0x1;
	s3 =	sadd.s32 s4, s19  }
0x9c: {  	s7 =	simm.s32 $0x0;
	s20 =	sshll.u32 s5, $0x1;
	s5 =	sadd.s32 s21, s3  }
0x9d: {  	[timem:s7], [sflag:s22] =	dma.local [hbm:s5], s20  }
0x9e: {  	_ =	swait.ge [sflag:s22], s20  }
0x9f: {  	s4 =	ssub.s32 $0x0, s20;
	[sflag:s22] =	ssyncset.done $0x0  }
0xa0: {  	[sflag:s22] =	ssyncadd.s32 s4;
	_ =	sdelay $0x1  }
0xa1: {  	s23 =	simm.s32 $0x1B8B  }
0xa2: {  	_ =	swait.ge [sflag:s23], $0x1  }
0xa3: {  	[sflag:s23] =	ssyncset.done $0x0  }
0xa4: {  	s25 =	simm.s32 $0x1B8E;
	s24 =	sld [smem:$0x3FFE];
	[sflag:s23] =	ssyncadd.s32 $0xFFFFFFFF  }
0xa5: {  	s26 =	simm.s32 $execute0_lowered;
	[smem:$0x3FD2] =	sst s25  }
0xa6: {  	s5 =	sshll.u32 s26, $0x1;
	_ =	strace $0x8000004C;
	[dreg:$0x1] =	wrdreg $0xFFFFFFFF  }
0xa7: {  	s28 =	simm.s32 $_size_execute0_lowered;
	s3 =	sadd.s32 s3, s5;
	[dreg:$0x0] =	wrdreg $0x0  }
0xa8: {  	s5 =	sshll.u32 s28, $0x1;
	[dreg:$0x2] =	wrdreg s3  }
0xa9: {  	[dreg:$0x3] =	wrdreg s5  }
0xaa: {  	[dreg:$0x4] =	wrdreg $0xC0  }
0xab: {  	_ =	task [dreg:s7], $0x5FFFF  }
0xac: {  	[dreg:$0x1] =	wrdreg $0xFFFFFFFF  }
0xad: {  	[dreg:$0x0] =	wrdreg $0x60  }
0xae: {  	[dreg:$0x2] =	wrdreg s2  }
0xaf: {  	[dreg:$0x3] =	wrdreg s24  }
0xb0: {  	[dreg:$0x4] =	wrdreg $0xA8000  }
0xb1: {  	[dreg:$0x5] =	wrdreg $0x9  }
0xb2: {  	_ =	task.clear_ibuf [dreg:s7], $0x6FFFF;
	_ =	strace $0x9000004C  }
0xb3: {  	s29 =	simm.s32 $0x9;
	_ =	strace $0x8000004E  }
0xb4: {  	_ =	swait.ge [sflag:s29], $0x1  }
0xb5: {  	[sflag:s29] =	ssyncadd.s32 $0xFFFFFFFF  }
0xb6: {  	_ =	strace $0x9000004E  }
0xb7: {  	_ =	sfence  }
0xb8: {  	s30 =	sld [smem:$0x0];
	_ =	sdelay $0x2  }
0xb9: {  	s31 =	sshll.u32 s1, $0xD;
	s1 =	sshrl.u32 s1, $0x2  }
0xba: {  	s3 =	sand.u32 $0x4000, s31;
	s1 =	sadd.s32 s1, s30  }
0xbb: {  	s0 =	sor.u32 s3, s0;
	s1 =	sshll.u32 s1, $0x11  }
0xbc: {  	s0 =	sor.u32 s1, s0  }
0xbd: {  	s0 =	sadd.s32 $0x8F2B, s0  }
0xbe: {  	[sflag:s0] =	ssyncadd.remote.s32 $0x1  }
0xbf: {  	_ =	sfence.sel $0xFFFF  }
0xc0: {  	[dreg:$0x0] =	wrdreg $0xFFFFFFFF;
	(pc) =	sbr.abs _section_cstart, $3  }
0xc1: {  	[dreg:$0x1] =	wrdreg $0xFFFFFFFF  }
0xc2: {  	_ =	task.clear_ibuf [dreg:s7], $0x2FFFF;
	_ =	strace $0x9FFFFFFF  }
0xc3: {  	(tm) =	ssettm $0x7FFFFFFF  }
tec
execute0_lowered:
.L_overlay_start_1:
0x0: {  	(tag) =	ssettag $0x1  }
0x1: {  	s2 =	rddreg [dreg:$0x0]  }
0x2: {  	s7 =	rddreg [dreg:$0x1]  }
0x3: {  	s3 =	rddreg [dreg:$0x2]  }
0x4: {  	s0 =	rddreg [dreg:$0x3];
	s1 =	stileid.u32  }
0x5: {  	s5 =	srdreg.scid;
	s4 =	simm.s32 $0x0;
	s16 =	simm.s32 $0x2800  }
0x6: {  	s17 =	simm.s32 $0x6800;
	s18 =	simm.s32 $0x1;
	s19 =	simm.s32 $0x2  }
0x7: {  	s21 =	simm.s32 $0x2780;
	s8 =	smul.u32 $0x13C00, s1;
	s20 =	sand.u32 $0x1, s5  }
0x8: {  	[smem:$0x7FF] =	sst s4;
	s5 =	sadd.s32 $0x3600, s7;
	s11 =	smul.u32 $0x4F000, s1  }
0x9: {  	s6 =	sadd.s32 $0xD600, s7;
	s13 =	smul.u32 $0xA0, s1;
	s31 =	sshll.u32 s1, $0x6  }
0xa: {  	s9 =	smul.u32 $0x13C000, s20;
	_ =	strace $0x8000004D;
	s26 =	ssub.s32 $0x2, s20  }
0xb: {  	s30 =	smul.u32 $0x78, s20;
	p0 =	sne.s32 s20, $0x0;
	s20 =	simm.s32 $0x2700  }
0xc: {  	s10 =	sshrl.u32 s8, $0x3;
	s28 =	sshrl.u32 s26, $0x1;
	s29 =	sshrl.u32 s11, $0x2  }
0xd: {  	s10 =	sadd.s32 s10, s7;
	s8 =	sadd.s32 s8, s9;
	s14 =	ssub.s32 s26, s28  }
0xe: {  	s15 =	sadd.s32 s29, s3;
	s9 =	sadd.s32 s30, s13;
	s13 =	simm.s32 $0x3  }
0xf: {  	s8 =	sshrl.u32 s8, $0x3;
	s11 =	smax.u32 s14, $0x1;
	s14 =	simm.s32 $0x1400  }
0x10: {  	s12 =	sadd.s32 s8, s7;
	s7 =	sadd.s32 $0x17600, s10;
	s8 =	sor.u32 $0x1C03, s31  }
0x11: {  	s10 =	sadd.s32 $0x66000, s12;
	s12 =	sshrl.u32 s15, $0x3;
	s15 =	simm.s32 $0x80  }
.LBB2_1:
0x12: {  	[spmem:s12], [sflag:s8] =	dma.local [hbm:s7], $0x2780  }
0x13: {  	_ =	swait.ge [sflag:s13], $0x2780  }
0x14: {  	[sflag:s13] =	ssyncset.done $0x0  }
0x15: {  	[sflag:s13] =	ssyncadd.s32 $0xFFFFD880  }
0x16: {  	s22 =	simm.s32 $0x0;
	[bflag:$0x0] =	sbarrier.arrive $0xFFFF  }
.LBB2_2:
0x17: {  	s23 =	smul.u32 $0x28, s22;
	_ =	sdelay $0x1  }
0x18: {  	s23 =	sadd.s32 s23, s9  }
0x19: {  	s23 =	sshll.u32 s23, $0x4  }
0x1a: {  	s25 =	simm.s32 $0x0;
	s24 =	sadd.s32 s5, s23  }
0x1b: {  	[tilespmem:s25], [sflag:$0x3] =	stream.linear.gather [hbm4b:s24+s25], $0x1400, $0x38;
	[tilespmem:$0x1E400] =	vst v63  }
0x1c: {  	_ =	swait.ge [sflag:s13], $0x1400  }
0x1d: {  	[sflag:s13] =	ssyncset.done $0x0  }
0x1e: {  	s23 =	sadd.s32 s6, s23;
	[sflag:s13] =	ssyncadd.s32 $0xFFFFEC00  }
0x1f: {  	[tilespmem:s14], [sflag:$0x3] =	stream.linear.gather [hbm4b:s23+s25], $0x1400, $0x38;
	[tilespmem:$0x1E400] =	vst v63  }
0x20: {  	_ =	swait.ge [sflag:s13], $0x1400  }
0x21: {  	[sflag:s13] =	ssyncset.done $0x0  }
0x22: {  	[sflag:s13] =	ssyncadd.s32 $0xFFFFEC00  }
0x23: {  	[tilespmem:s16], [sflag:$0x1] =	stream.indirect.gather [hbm4b:s2+s15], $0x80, s25, s15, $0xb8;
	[tilespmem:$0x1E400] =	vst v63  }
0x24: {  	_ = 	snop  }
0x25: {  	[tilespmem:s17], [sflag:$0x2] =	stream.indirect.gather [hbm4b:s2+s15], $0x80, s15, s15, $0xb8;
	[tilespmem:$0x1E400] =	vst v63  }
0x26: {  	_ =	swait.ge [sflag:s18], $0x4000  }
0x27: {  	[sflag:s18] =	ssyncset.done $0x0  }
0x28: {  	s29 =	simm.s32 $0x1400;
	[sflag:s18] =	ssyncadd.s32 $0xFFFFC000  }
0x29: {  	[spmem:s3] =	stream.indirect.scatter.add.f32 [tilespmem:s16], [sflag:$0x3], $0x80, s29, s15, $0xb8;
	[tilespmem:$0x1E400] =	vst v63  }
0x2a: {  	_ =	swait.ge [sflag:s13], $0x4000  }
0x2b: {  	[sflag:s13] =	ssyncset.done $0x0  }
0x2c: {  	s30 =	simm.s32 $0x100;
	[sflag:s13] =	ssyncadd.s32 $0xFFFFC000  }
0x2d: {  	[tilespmem:s16], [sflag:$0x1] =	stream.indirect.gather [hbm4b:s2+s15], $0x80, s30, s15, $0xb8;
	[tilespmem:$0x1E400] =	vst v63  }
0x2e: {  	_ =	swait.ge [sflag:s19], $0x4000  }
0x2f: {  	[sflag:s19] =	ssyncset.done $0x0  }
0x30: {  	s31 =	simm.s32 $0x1480;
	[sflag:s19] =	ssyncadd.s32 $0xFFFFC000  }
0x31: {  	[spmem:s3] =	stream.indirect.scatter.add.f32 [tilespmem:s17], [sflag:$0x3], $0x80, s31, s15, $0xb8;
	[tilespmem:$0x1E400] =	vst v63  }
0x32: {  	_ =	swait.ge [sflag:s13], $0x4000  }
0x33: {  	[sflag:s13] =	ssyncset.done $0x0  }
0x34: {  	s24 =	simm.s32 $0x180;
	s23 =	simm.s32 $0x400;
	[sflag:s13] =	ssyncadd.s32 $0xFFFFC000  }
.LBB2_3:
0x35: {  	[tilespmem:s17], [sflag:$0x2] =	stream.indirect.gather [hbm4b:s2+s15], $0x80, s24, s15, $0xb8;
	[tilespmem:$0x1E400] =	vst v63  }
0x36: {  	s24 =	smov.u32 s23  }
0x37: {  	p1 =	sne.s32 s23, $0x4800;
	s23 =	sadd.s32 $0x400, s23;
	_ =	swait.ge [sflag:s18], $0x4000  }
0x38: {  	s24 =	sshra.s32 s24, $0x2;
	[sflag:s18] =	ssyncset.done $0x0  }
0x39: {  	s25 =	sadd.s32 $0x1400, s24;
	[sflag:s18] =	ssyncadd.s32 $0xFFFFC000  }
0x3a: {  	[spmem:s3] =	stream.indirect.scatter.add.f32 [tilespmem:s16], [sflag:$0x3], $0x80, s25, s15, $0xb8;
	[tilespmem:$0x1E400] =	vst v63  }
0x3b: {  	_ =	swait.ge [sflag:s13], $0x4000  }
0x3c: {  	[sflag:s13] =	ssyncset.done $0x0  }
0x3d: {  	s25 =	sadd.s32 $0x100, s24;
	[sflag:s13] =	ssyncadd.s32 $0xFFFFC000  }
0x3e: {  	[tilespmem:s16], [sflag:$0x1] =	stream.indirect.gather [hbm4b:s2+s15], $0x80, s25, s15, $0xb8;
	[tilespmem:$0x1E400] =	vst v63  }
0x3f: {  	_ =	swait.ge [sflag:s19], $0x4000  }
0x40: {  	[sflag:s19] =	ssyncset.done $0x0  }
.Ltmp0:
0x41: {  	s25 =	sadd.s32 $0x1480, s24;
	[sflag:s19] =	ssyncadd.s32 $0xFFFFC000;
	(pc) =	sbr.rel @p1 .LBB2_3-.Ltmp0, $4  }
0x42: {  	[spmem:s3] =	stream.indirect.scatter.add.f32 [tilespmem:s17], [sflag:$0x3], $0x80, s25, s15, $0xb8;
	[tilespmem:$0x1E400] =	vst v63  }
0x43: {  	_ =	swait.ge [sflag:s13], $0x4000  }
0x44: {  	[sflag:s13] =	ssyncset.done $0x0  }
0x45: {  	s24 =	sadd.s32 $0x180, s24;
	[sflag:s13] =	ssyncadd.s32 $0xFFFFC000  }
0x46: {  	[tilespmem:s17], [sflag:$0x2] =	stream.indirect.gather [hbm4b:s2+s15], $0x80, s24, s15, $0xb8;
	[tilespmem:$0x1E400] =	vst v63  }
0x47: {  	_ =	swait.ge [sflag:s18], $0x4000  }
0x48: {  	[sflag:s18] =	ssyncset.done $0x0  }
0x49: {  	[sflag:s18] =	ssyncadd.s32 $0xFFFFC000  }
0x4a: {  	[spmem:s3] =	stream.indirect.scatter.add.f32 [tilespmem:s16], [sflag:$0x3], $0x80, s20, s15, $0xb8;
	[tilespmem:$0x1E400] =	vst v63  }
0x4b: {  	_ =	swait.ge [sflag:s13], $0x4000  }
0x4c: {  	[sflag:s13] =	ssyncset.done $0x0  }
0x4d: {  	[sflag:s13] =	ssyncadd.s32 $0xFFFFC000  }
0x4e: {  	p1 =	slt.u32 @!p0 s22, $0x2;
	_ =	swait.ge [sflag:s19], $0x4000  }
0x4f: {  	p1 =	por p0, !p1;
	[sflag:s19] =	ssyncset.done $0x0  }
.Ltmp1:
0x50: {  	[sflag:s19] =	ssyncadd.s32 $0xFFFFC000;
	(pc) =	sbr.rel @!p1 .LBB2_2-.Ltmp1, $4  }
0x51: {  	[spmem:s3] =	stream.indirect.scatter.add.f32 [tilespmem:s17], [sflag:$0x3], $0x80, s21, s15, $0xb8;
	[tilespmem:$0x1E400] =	vst v63  }
0x52: {  	_ =	swait.ge [sflag:s13], $0x4000  }
0x53: {  	[sflag:s13] =	ssyncset.done $0x0  }
0x54: {  	s22 =	sadd.s32 $0x1, s22;
	[sflag:s13] =	ssyncadd.s32 $0xFFFFC000  }
0x55: {  	s4 =	sadd.s32 $0x1, s4  }
0x56: {  	p1 =	sne.s32 s4, s11  }
.Ltmp2:
0x57: {  	[bflag:$0x0] =	sbarrier.arrive $0xFFFF;
	(pc) =	sbr.rel @p1 .LBB2_1-.Ltmp2, $4  }
0x58: {  	[hbm:s10], [sflag:s8] =	dma.local [spmem:s12], $0x2780  }
0x59: {  	_ =	swait.ge [sflag:s13], $0x2780  }
0x5a: {  	[sflag:s13] =	ssyncset.done $0x0  }
0x5b: {  	[sflag:s13] =	ssyncadd.s32 $0xFFFFD880  }
0x5c: {  	_ =	sfence.sel $0x180000  }
0x5d: {  	[bflag:$0x0] =	sbarrier.arrive $0xFFFF  }
0x5e: {  	p0 =	sne.s32 s1, $0x0;
	_ =	strace $0x9000004D  }
0x5f: {  	s0 =	sadd.s32 @!p0 $0x100000, s0;
	[bflag:$0x2] =	sbarrier.arrive $0xFFFF  }
0x60: {  	[sflag:s0] =	ssyncadd.tile.s32 @!p0 $0x1;
	_ =	shalt  }
.Lfunc_end2:
_tile_overlayer_lowered:
.L_overlay_start_2:
0x61: {  	(tag) =	ssettag $0x2  }
0x62: {  	s0 =	rddreg [dreg:$0x0];
	s2 =	stileid.u32  }
0x63: {  	s1 =	rddreg [dreg:$0x1];
	p0 =	sne.s32 s2, $0x0  }
0x64: {  	s3 =	rddreg [dreg:$0x2];
	[bflag:$0x3] =	sbarrier.arrive $0xFFFF;
	s2 =	simm.s32 @!p0 $0x1C03  }
0x65: {  	[timem:s3], [sflag:s2] =	dma.local @!p0 [hbm:s0], s1  }
0x66: {  	s0 =	simm.s32 @!p0 $0x3  }
0x67: {  	_ =	swait.ge @!p0 [sflag:s0], s1  }
0x68: {  	s1 =	ssub.s32 @!p0 $0x0, s1;
	[sflag:s0] =	ssyncset.done @!p0 $0x0  }
0x69: {  	[sflag:s0] =	ssyncadd.s32 @!p0 s1  }
0x6a: {  	[bflag:$0x3] =	sbarrier.arrive $0xFFFF  }
0x6b: {  	_ =	shalt  }

// kernel: kernel.9.cloned.1.call-start
scs
__scs_entry_jumppad:
0x0: {  	(pc) =	sbr.rel $0x88, $3  }
0x1: {  	(tag) =	ssettag $0x0;
	lr =	simm.s32 $0x1  }
0x2: {  	[smem:$0x3F9B] =	sst lr;
	_ =	strace $0xD0000000  }
0x3: {  	_ = 	snop  }
0x4: {  	_ = 	snop  }
0x5: {  	_ = 	snop  }
0x6: {  	_ = 	snop  }
0x7: {  	_ = 	snop  }
__scs_overlays_trampoline_lowered:
0x8: {  	[smem:$0x3FAA] =	sst s0  }
0x9: {  	[smem:$0x3FAB] =	sst s1  }
0xa: {  	[smem:$0x3FAC] =	sst s2  }
0xb: {  	[smem:$0x3FAD] =	sst s3  }
0xc: {  	[smem:$0x3FAE] =	sst s4  }
0xd: {  	[smem:$0x3FAF] =	sst s5  }
0xe: {  	[smem:$0x3FB0] =	sst s6  }
0xf: {  	[smem:$0x3FB1] =	sst s7  }
0x10: {  	[smem:$0x3FB2] =	sst s8  }
0x11: {  	[smem:$0x3FB3] =	sst s9;
	s0 =	simm.s32 @!p0 $0x0  }
0x12: {  	s1 =	sld [smem:$0x3F99];
	s0 =	simm.s32 @p0 $0x1  }
0x13: {  	[smem:$0x3FB4] =	sst s0;
	s0 =	simm.s32 @!p1 $0x0  }
0x14: {  	s2 =	sld [smem:$0x3F98];
	s0 =	simm.s32 @p1 $0x1  }
0x15: {  	[smem:$0x3FB5] =	sst s0;
	s0 =	simm.s32 @!p2 $0x0  }
0x16: {  	s3 =	sld [smem:$0x3FDB];
	s0 =	simm.s32 @p2 $0x1  }
0x17: {  	s4 =	simm.s32 $0x1BF5;
	[smem:$0x3FB7] =	sst s0  }
0x18: {  	s0 =	sld [smem:$0x3F9A];
	_ =	swait.ge [sflag:s4], $0x0  }
0x19: {  	s7 =	sld [smem:$0x3F9B]  }
0x1a: {  	s8 =	sadd.s32 $0xFFFFE003, lr  }
0x1b: {  	s9 =	sadd.s32 $0xFFFFFEF7, lr;
	s5 =	simm.s32 $0xFFFFFFFF;
	p2 =	slt.u32 s8, $0xFFFFF086  }
0x1c: {  	p1 =	slt.u32 s9, $0xF7A;
	s5 =	simm.s32 @!p2 $0x0  }
0x1d: {  	s5 =	simm.s32 @p1 $0x1;
	p0 =	seq.s32 s7, s2  }
0x1e: {  	s7 =	smul.u32 @!p0 $0xF7A, s2;
	p2 =	seq.s32 @!p0 s5, $0x0  }
0x1f: {  	s9 =	smul.u32 $0xF7A, s1;
	s8 =	simm.s32 @!p0 $0x1BF5;
	p2 =	por !p2, p0  }
0x20: {  	[sflag:s8] =	ssyncset.s32 @!p0 $0xFFFFF086;
	s6 =	sadd.s32 @!p0 s3, s7;
	s7 =	simm.s32 @!p0 $0x108  }
0x21: {  	s3 =	sadd.s32 s3, s9;
	s6 =	sadd.s32 @!p0 $0x88, s6;
	s7 =	simm.s32 @p2 $0x1082  }
0x22: {  	[simem:s7], [sflag:s8] =	dma.local @!p0 [hbm:s6], $0xF7A  }
0x23: {  	s9 =	sor.u32 $0xD0000000, s2;
	s6 =	simm.s32 $0x108;
	_ =	swait.ge @!p0 [sflag:s8], $0x0  }
0x24: {  	s3 =	sadd.s32 $0x88, s3;
	s6 =	simm.s32 @!p1 $0x1082;
	[sflag:s4] =	ssyncset.s32 $0xFFFFF086  }
0x25: {  	[simem:s6], [sflag:s4] =	dma.local [hbm:s3], $0xF7A  }
0x26: {  	[smem:$0x3F9B] =	sst s1;
	(tag) =	ssettag s2;
	_ =	strace s9  }
0x27: {  	s1 =	sld [smem:$0x3FAB]  }
0x28: {  	s2 =	sld [smem:$0x3FAC]  }
0x29: {  	s4 =	sld [smem:$0x3FAE]  }
0x2a: {  	p0 =	seq.s32 s5, $0x0;
	s5 =	sld [smem:$0x3FAF]  }
0x2b: {  	s6 =	sld [smem:$0x3FB0]  }
0x2c: {  	s7 =	sld [smem:$0x3FB1]  }
0x2d: {  	s3 =	simm.s32 $0x108;
	s8 =	sld [smem:$0x3FB2]  }
0x2e: {  	s3 =	simm.s32 @!p0 $0x1082;
	s9 =	sld [smem:$0x3FB3]  }
0x2f: {  	lr =	sadd.s32 s0, s3;
	s0 =	sld [smem:$0x3FAA]  }
0x30: {  	s3 =	sld [smem:$0x3FAD]  }
0x31: {  	[smem:$0x3FB6] =	sst s10  }
0x32: {  	s10 =	sld [smem:$0x3FB4];
	_ =	sdelay $0x3  }
0x33: {  	p0 =	seq.s32 s10, $0x1;
	s10 =	sld [smem:$0x3FB6];
	_ =	sdelay $0x3  }
0x34: {  	[smem:$0x3FB6] =	sst s10  }
0x35: {  	s10 =	sld [smem:$0x3FB5];
	_ =	sdelay $0x3  }
0x36: {  	p1 =	seq.s32 s10, $0x1;
	s10 =	sld [smem:$0x3FB6];
	_ =	sdelay $0x3  }
0x37: {  	[smem:$0x3FB6] =	sst s10  }
0x38: {  	s10 =	sld [smem:$0x3FB7]  }
0x39: {  	_ = 	snop;
	(pc) =	sbr.ind lr, $3  }
0x3a: {  	_ = 	snop  }
0x3b: {  	_ = 	snop  }
0x3c: {  	p2 =	seq.s32 s10, $0x1;
	s10 =	sld [smem:$0x3FB6]  }
0x3d: {  	_ =	shalt  }
0x3e: {  	_ =	shalt  }
0x3f: {  	_ =	shalt  }
0x40: {  	_ =	shalt  }
0x41: {  	_ =	shalt  }
0x42: {  	_ =	shalt  }
0x43: {  	_ =	shalt  }
0x44: {  	_ =	shalt  }
0x45: {  	_ =	shalt  }
0x46: {  	_ =	shalt  }
0x47: {  	_ =	shalt  }
0x48: {  	_ =	shalt  }
0x49: {  	_ =	shalt  }
0x4a: {  	_ =	shalt  }
0x4b: {  	_ =	shalt  }
0x4c: {  	_ =	shalt  }
0x4d: {  	_ =	shalt  }
0x4e: {  	_ =	shalt  }
0x4f: {  	_ =	shalt  }
0x50: {  	_ =	shalt  }
0x51: {  	_ =	shalt  }
0x52: {  	_ =	shalt  }
0x53: {  	_ =	shalt  }
0x54: {  	_ =	shalt  }
0x55: {  	_ =	shalt  }
0x56: {  	_ =	shalt  }
0x57: {  	_ =	shalt  }
0x58: {  	_ =	shalt  }
0x59: {  	_ =	shalt  }
0x5a: {  	_ =	shalt  }
0x5b: {  	_ =	shalt  }
0x5c: {  	_ =	shalt  }
0x5d: {  	_ =	shalt  }
0x5e: {  	_ =	shalt  }
0x5f: {  	_ =	shalt  }
0x60: {  	_ =	shalt  }
0x61: {  	_ =	shalt  }
0x62: {  	_ =	shalt  }
0x63: {  	_ =	shalt  }
0x64: {  	_ =	shalt  }
0x65: {  	_ =	shalt  }
0x66: {  	_ =	shalt  }
0x67: {  	_ =	shalt  }
0x68: {  	_ =	shalt  }
0x69: {  	_ =	shalt  }
0x6a: {  	_ =	shalt  }
0x6b: {  	_ =	shalt  }
0x6c: {  	_ =	shalt  }
0x6d: {  	_ =	shalt  }
0x6e: {  	_ =	shalt  }
0x6f: {  	_ =	shalt  }
0x70: {  	_ =	shalt  }
0x71: {  	_ =	shalt  }
0x72: {  	_ =	shalt  }
0x73: {  	_ =	shalt  }
0x74: {  	_ =	shalt  }
0x75: {  	_ =	shalt  }
0x76: {  	_ =	shalt  }
0x77: {  	_ =	shalt  }
0x78: {  	_ =	shalt  }
0x79: {  	_ =	shalt  }
0x7a: {  	_ =	shalt  }
0x7b: {  	_ =	shalt  }
0x7c: {  	_ =	shalt  }
0x7d: {  	_ =	shalt  }
0x7e: {  	_ =	shalt  }
0x7f: {  	_ =	shalt  }
0x80: {  	_ =	shalt  }
0x81: {  	_ =	shalt  }
0x82: {  	_ =	shalt  }
0x83: {  	_ =	shalt  }
0x84: {  	_ =	shalt  }
0x85: {  	_ =	shalt  }
0x86: {  	_ =	shalt  }
0x87: {  	_ =	shalt  }
.Lfunc_end0:
.L_simem_size_0:
called_computation_lowered:
.L_overlay_start_0:
0x88: {  	s2 =	sld [smem:$0x3FD9]  }
0x89: {  	s3 =	sld [smem:$0x3FFE];
	_ =	sdelay $0x1  }
0x8a: {  	s1 =	srdreg.scid  }
0x8b: {  	s0 =	sand.u32 $0x1, s1  }
0x8c: {  	s17 =	sshll.u32 s0, $0xA;
	s2 =	sadd.s32 s3, s2  }
0x8d: {  	s2 =	sadd.s32 s2, s17  }
0x8e: {  	[smem:$0x3FC2] =	sst s2  }
0x8f: {  	_ = 	snop  }
0x90: {  	s2 =	sld [smem:$0x3FD0];
	(tm) =	ssettm $0x1  }
0x91: {  	s18 =	sld [smem:$0x3FFB];
	_ =	sdelay $0x3  }
0x92: {  	_ =	strace s18  }
0x93: {  	s3 =	sld [smem:$0x3FFC];
	_ =	sdelay $0x3  }
0x94: {  	_ =	strace s3  }
0x95: {  	s3 =	sld [smem:$0x3FFD];
	_ =	sdelay $0x3  }
0x96: {  	_ =	strace s3  }
0x97: {  	_ =	strace $0x8FFFFFFF  }
0x98: {  	s19 =	sld [smem:$0x3FDB];
	_ =	sdelay $0x1  }
0x99: {  	s4 =	simm.s32 $_scs_section_size  }
0x9a: {  	s5 =	simm.s32 $_size__tile_overlayer_lowered;
	s6 =	simm.s32 $_tile_overlayer_lowered  }
0x9b: {  	s22 =	simm.s32 $0x1BFF;
	s21 =	sshll.u32 s6, $0x1;
	s3 =	sadd.s32 s4, s19  }
0x9c: {  	s7 =	simm.s32 $0x0;
	s20 =	sshll.u32 s5, $0x1;
	s5 =	sadd.s32 s21, s3  }
0x9d: {  	[timem:s7], [sflag:s22] =	dma.local [hbm:s5], s20  }
0x9e: {  	_ =	swait.ge [sflag:s22], s20  }
0x9f: {  	s4 =	ssub.s32 $0x0, s20;
	[sflag:s22] =	ssyncset.done $0x0  }
0xa0: {  	[sflag:s22] =	ssyncadd.s32 s4;
	_ =	sdelay $0x1  }
0xa1: {  	s23 =	simm.s32 $0x1B8B  }
0xa2: {  	_ =	swait.ge [sflag:s23], $0x1  }
0xa3: {  	[sflag:s23] =	ssyncset.done $0x0  }
0xa4: {  	s25 =	simm.s32 $0x1B8E;
	s24 =	sld [smem:$0x3FFE];
	[sflag:s23] =	ssyncadd.s32 $0xFFFFFFFF  }
0xa5: {  	s26 =	simm.s32 $execute0_lowered;
	[smem:$0x3FD2] =	sst s25  }
0xa6: {  	s5 =	sshll.u32 s26, $0x1;
	_ =	strace $0x80000046;
	[dreg:$0x1] =	wrdreg $0xFFFFFFFF  }
0xa7: {  	s28 =	simm.s32 $_size_execute0_lowered;
	s3 =	sadd.s32 s3, s5;
	[dreg:$0x0] =	wrdreg $0x0  }
0xa8: {  	s5 =	sshll.u32 s28, $0x1;
	[dreg:$0x2] =	wrdreg s3  }
0xa9: {  	[dreg:$0x3] =	wrdreg s5  }
0xaa: {  	[dreg:$0x4] =	wrdreg $0xC0  }
0xab: {  	_ =	task [dreg:s7], $0x5FFFF  }
0xac: {  	[dreg:$0x1] =	wrdreg $0xFFFFFFFF  }
0xad: {  	[dreg:$0x0] =	wrdreg $0x60  }
0xae: {  	[dreg:$0x2] =	wrdreg s24  }
0xaf: {  	[dreg:$0x3] =	wrdreg s2  }
0xb0: {  	[dreg:$0x4] =	wrdreg $0x68000  }
0xb1: {  	[dreg:$0x5] =	wrdreg $0x9  }
0xb2: {  	_ =	task.clear_ibuf [dreg:s7], $0x6FFFF;
	_ =	strace $0x90000046  }
0xb3: {  	s29 =	simm.s32 $0x9;
	_ =	strace $0x80000048  }
0xb4: {  	_ =	swait.ge [sflag:s29], $0x1  }
0xb5: {  	[sflag:s29] =	ssyncadd.s32 $0xFFFFFFFF  }
0xb6: {  	_ =	strace $0x90000048  }
0xb7: {  	_ =	sfence  }
0xb8: {  	s30 =	sld [smem:$0x0];
	_ =	sdelay $0x2  }
0xb9: {  	s31 =	sshll.u32 s1, $0xD;
	s1 =	sshrl.u32 s1, $0x2  }
0xba: {  	s3 =	sand.u32 $0x4000, s31;
	s1 =	sadd.s32 s1, s30  }
0xbb: {  	s0 =	sor.u32 s3, s0;
	s1 =	sshll.u32 s1, $0x11  }
0xbc: {  	s0 =	sor.u32 s1, s0  }
0xbd: {  	s0 =	sadd.s32 $0x8F2B, s0  }
0xbe: {  	[sflag:s0] =	ssyncadd.remote.s32 $0x1  }
0xbf: {  	_ =	sfence.sel $0xFFFF  }
0xc0: {  	[dreg:$0x0] =	wrdreg $0xFFFFFFFF;
	(pc) =	sbr.abs _section_cstart, $3  }
0xc1: {  	[dreg:$0x1] =	wrdreg $0xFFFFFFFF  }
0xc2: {  	_ =	task.clear_ibuf [dreg:s7], $0x2FFFF;
	_ =	strace $0x9FFFFFFF  }
0xc3: {  	(tm) =	ssettm $0x7FFFFFFF  }
tec
execute0_lowered:
.L_overlay_start_1:
0x0: {  	(tag) =	ssettag $0x1  }
0x1: {  	s5 =	rddreg [dreg:$0x0]  }
0x2: {  	s1 =	srdreg.scid;
	s2 =	rddreg [dreg:$0x1]  }
0x3: {  	s0 =	stileid.u32;
	s3 =	rddreg [dreg:$0x2]  }
0x4: {  	s4 =	simm.s32 $0x0;
	s13 =	simm.s32 $0x80;
	s14 =	simm.s32 $0x0  }
0x5: {  	s6 =	sand.u32 $0x1, s1;
	s28 =	sshll.u32 s0, $0x1;
	s8 =	smul.u32 $0x13C00, s0  }
0x6: {  	[smem:$0x7FF] =	sst s4;
	s29 =	smul.u32 $0x4F000, s0;
	s31 =	sshll.u32 s0, $0x6  }
0x7: {  	s1 =	sor.u32 s6, s28;
	s9 =	smul.u32 $0x13C000, s6;
	s6 =	ssub.s32 $0x2, s6  }
0x8: {  	s7 =	smul.u32 $0x500, s1;
	s1 =	rddreg [dreg:$0x3];
	_ =	strace $0x80000047  }
0x9: {  	s10 =	sshrl.u32 s8, $0x3;
	s11 =	sshrl.u32 s6, $0x1;
	s30 =	sshrl.u32 s29, $0x2  }
0xa: {  	s8 =	sadd.s32 s8, s9;
	s10 =	sadd.s32 s10, s5;
	s11 =	ssub.s32 s6, s11  }
0xb: {  	s12 =	sadd.s32 s30, s3;
	s6 =	sor.u32 $0x1C01, s31;
	s7 =	sadd.s32 s7, s5  }
0xc: {  	s8 =	sshrl.u32 s8, $0x3;
	s9 =	smax.u32 s11, $0x1;
	s11 =	simm.s32 $0x1  }
0xd: {  	s8 =	sadd.s32 s8, s5;
	s5 =	sadd.s32 $0x17600, s10;
	s7 =	sadd.s32 $0xD600, s7  }
0xe: {  	s10 =	sshrl.u32 s12, $0x3;
	s12 =	simm.s32 $0x2800;
	s8 =	sadd.s32 $0x3EE00, s8  }
.LBB2_1:
0xf: {  	[spmem:s10], [sflag:s6] =	dma.local [hbm:s5], $0x2780  }
0x10: {  	_ =	swait.ge [sflag:s11], $0x2780  }
0x11: {  	[sflag:s11] =	ssyncset.done $0x0  }
0x12: {  	[sflag:s11] =	ssyncadd.s32 $0xFFFFD880  }
0x13: {  	[tilespmem:s12], [sflag:$0x1] =	stream.linear.gather [hbm4b:s2+s4], $0x4000, $0x38;
	[tilespmem:$0x1A400] =	vst v63  }
0x14: {  	_ =	swait.ge [sflag:s11], $0x4000  }
0x15: {  	[sflag:s11] =	ssyncset.done $0x0  }
0x16: {  	[sflag:s11] =	ssyncadd.s32 $0xFFFFC000  }
0x17: {  	[tilespmem:s4], [sflag:$0x1] =	stream.linear.gather [hbm4b:s7+s4], $0x2800, $0x38;
	[tilespmem:$0x1A400] =	vst v63  }
0x18: {  	_ =	swait.ge [sflag:s11], $0x2800  }
0x19: {  	[sflag:s11] =	ssyncset.done $0x0  }
0x1a: {  	[sflag:s11] =	ssyncadd.s32 $0xFFFFD800  }
0x1b: {  	s15 =	simm.s32 $0x0;
	[bflag:$0x0] =	sbarrier.arrive $0xFFFF  }
0x1c: {  	[spmem:s3] =	stream.indirect.scatter.add.f32 [tilespmem:s12], [sflag:$0x1], $0x80, s15, s13, $0xb8;
	[tilespmem:$0x1A400] =	vst v63  }
0x1d: {  	_ =	swait.ge [sflag:s11], $0x4000  }
0x1e: {  	s15 =	simm.s32 $0x200;
	[sflag:s11] =	ssyncset.done $0x0  }
.LBB2_2:
0x1f: {  	s16 =	sshra.s32 s15, $0x2;
	[sflag:s11] =	ssyncadd.s32 $0xFFFFC000;
	p0 =	sne.s32 s15, $0x9E00  }
0x20: {  	[spmem:s3] =	stream.indirect.scatter.add.f32 [tilespmem:s12], [sflag:$0x1], $0x80, s16, s13, $0xb8;
	[tilespmem:$0x1A400] =	vst v63  }
.Ltmp0:
0x21: {  	_ = 	snop;
	(pc) =	sbr.rel @p0 .LBB2_2-.Ltmp0, $4  }
0x22: {  	_ = 	snop  }
0x23: {  	s15 =	sadd.s32 $0x200, s15  }
0x24: {  	_ =	swait.ge [sflag:s11], $0x4000  }
0x25: {  	[sflag:s11] =	ssyncset.done $0x0  }
0x26: {  	s14 =	sadd.s32 $0x1, s14  }
0x27: {  	[sflag:s11] =	ssyncadd.s32 $0xFFFFC000;
	p0 =	sne.s32 s14, s9  }
.Ltmp1:
0x28: {  	[bflag:$0x0] =	sbarrier.arrive $0xFFFF;
	(pc) =	sbr.rel @p0 .LBB2_1-.Ltmp1, $4  }
0x29: {  	[hbm:s8], [sflag:s6] =	dma.local [spmem:s10], $0x2780  }
0x2a: {  	_ =	swait.ge [sflag:s11], $0x2780  }
0x2b: {  	[sflag:s11] =	ssyncset.done $0x0  }
0x2c: {  	[sflag:s11] =	ssyncadd.s32 $0xFFFFD880  }
0x2d: {  	_ =	sfence.sel $0x180000  }
0x2e: {  	[bflag:$0x0] =	sbarrier.arrive $0xFFFF  }
0x2f: {  	p0 =	sne.s32 s0, $0x0;
	_ =	strace $0x90000047  }
0x30: {  	s0 =	sadd.s32 @!p0 $0x100000, s1;
	[bflag:$0x2] =	sbarrier.arrive $0xFFFF  }
0x31: {  	[sflag:s0] =	ssyncadd.tile.s32 @!p0 $0x1;
	_ =	shalt  }
.Lfunc_end2:
_tile_overlayer_lowered:
.L_overlay_start_2:
0x32: {  	(tag) =	ssettag $0x2  }
0x33: {  	s0 =	rddreg [dreg:$0x0];
	s2 =	stileid.u32  }
0x34: {  	s1 =	rddreg [dreg:$0x1];
	p0 =	sne.s32 s2, $0x0  }
0x35: {  	s3 =	rddreg [dreg:$0x2];
	[bflag:$0x3] =	sbarrier.arrive $0xFFFF;
	s2 =	simm.s32 @!p0 $0x1C01  }
0x36: {  	[timem:s3], [sflag:s2] =	dma.local @!p0 [hbm:s0], s1  }
0x37: {  	s0 =	simm.s32 @!p0 $0x1  }
0x38: {  	_ =	swait.ge @!p0 [sflag:s0], s1  }
0x39: {  	s1 =	ssub.s32 @!p0 $0x0, s1;
	[sflag:s0] =	ssyncset.done @!p0 $0x0  }
0x3a: {  	[sflag:s0] =	ssyncadd.s32 @!p0 s1  }
0x3b: {  	[bflag:$0x3] =	sbarrier.arrive $0xFFFF  }
0x3c: {  	_ =	shalt  }

</sc_bundles>
